<compile_context>
chip_gen: v7x
topology: tpu7x:2x2x1
jax: 0.10.2.dev20260603
libtpu: 0.0.44.dev20260713+nightly
codegen_flags: <defaults>
</compile_context>

<pallas_src>
import functools

import jax
import jax.numpy as jnp
from jax import lax
from jax.experimental import pallas as pl
from jax.experimental.pallas import tpu as pltpu
from jax.experimental.pallas import tpu_sc as plsc

_NC = 2
_NS = 16
_LANES = 16
_NACC = 8


def _sc_partials(features, labels, centres):
    B, D = features.shape
    NW = _NC * _NS
    b_per_w = B // NW
    CH = 16
    n_ch = b_per_w // CH
    JN = D // _LANES

    mesh = plsc.VectorSubcoreMesh(core_axis_name="c", subcore_axis_name="s")

    @functools.partial(
        pl.kernel,
        mesh=mesh,
        out_type=jax.ShapeDtypeStruct((NW, _LANES), jnp.float32),
        scratch_types=[
            pltpu.VMEM((b_per_w,), jnp.int32),
            pltpu.VMEM((7, CH, D), jnp.float32),
            pltpu.VMEM((7, CH, D), jnp.float32),
            pltpu.VMEM((_LANES,), jnp.float32),
            pltpu.SemaphoreType.DMA((7,)),
        ],
    )
    def k(feat_hbm, lab_hbm, cent_hbm, out_hbm,
          lab_v, feat_v, cent_v, acc_v, sem):
        cid = lax.axis_index("c")
        sid = lax.axis_index("s")
        wid = sid * _NC + cid
        base = wid * b_per_w

        pltpu.sync_copy(lab_hbm.at[pl.ds(base, b_per_w)], lab_v)

        def issue(ch, b):
            row0 = base + ch * CH
            pltpu.async_copy(
                cent_hbm.at[lab_v.at[pl.ds(ch * CH, CH)]],
                cent_v.at[b], sem.at[b])
            pltpu.async_copy(
                feat_hbm.at[pl.ds(row0, CH)], feat_v.at[b], sem.at[b])

        def drain(b):
            pltpu.make_async_copy(
                feat_hbm.at[pl.ds(0, CH)], cent_v.at[b], sem.at[b]).wait()
            pltpu.make_async_copy(
                feat_hbm.at[pl.ds(0, CH)], feat_v.at[b], sem.at[b]).wait()

        def compute(b, accs):
            @plsc.parallel_loop(0, CH, 1, unroll=2, carry=tuple(accs))
            def row_body(r, accs):
                accs = list(accs)
                for j in range(JN):
                    f = feat_v[b, r, pl.ds(j * _LANES, _LANES)]
                    c = cent_v[b, r, pl.ds(j * _LANES, _LANES)]
                    t = f - c
                    accs[j % _NACC] = accs[j % _NACC] + t * t
                return tuple(accs)

            return row_body

        for p in range(7):
            issue(p, p)

        def body(ch, accs):
            b = lax.rem(ch, 7)
            drain(b)
            accs = compute(b, accs)
            nxt = ch + 7

            @pl.when(nxt < n_ch)
            def _():
                issue(nxt, b)

            return accs

        zero = jnp.zeros((_LANES,), jnp.float32)
        accs = lax.fori_loop(0, n_ch, body, (zero,) * _NACC)
        acc = accs[0]
        for a in accs[1:]:
            acc = acc + a
        acc_v[...] = acc
        pltpu.sync_copy(acc_v, out_hbm.at[wid])

    return k(features, labels, centres)


def kernel(features, labels, centres):
    partials = _sc_partials(features, labels.astype(jnp.int32), centres)
    return jnp.sum(partials) / (2.0 * features.shape[0])

# --- scband reference (transcript-rebuilt; emitter-appended) ---
"""Pipeline reference for scband-centre-loss-19877108646616 (READ-ONLY COPY).

The authoritative reference and input builder live on the scoring server;
editing this copy changes nothing except your own understanding.
"""

import jax, jax.numpy as jnp
import numpy as np

NUM_CLASSES = 10000
FEAT_DIM = 512
BATCH = 16384


def setup_inputs(seed: int = 0) -> dict:
    key = jax.random.key(seed)
    k1, k2, k3 = jax.random.split(key, 3)
    features = jax.random.normal(k1, (BATCH, FEAT_DIM), dtype=jnp.float32)
    labels = jax.random.randint(k2, (BATCH,), 0, NUM_CLASSES, dtype=jnp.int64)
    centres = jax.random.normal(k3, (NUM_CLASSES, FEAT_DIM), dtype=jnp.float32)
    return {"features": features, "labels": labels, "centres": centres}


def reference(features, labels, centres):
    batch_size = features.shape[0]
    centres_batch = jnp.take(centres, labels, axis=0)
    loss = jnp.sum((features - centres_batch) ** 2) / 2.0 / batch_size
    return loss

if __name__ == "__main__":
    import jax
    _d = setup_inputs()
    print(jax.jit(kernel)(*tuple(_d.values())))

</pallas_src>

<mosaic_0001>
#map = affine_map<(d0, d1) -> (0, 0)>
#map1 = affine_map<(d0, d1) -> (0)>
module attributes {stable_mosaic.version = 14 : i64} {
  func.func @k(%arg0: i32, %arg1: i32, %arg2: memref<16384x512xf32, #tpu.memory_space<hbm>>, %arg3: memref<16384xi32, #tpu.memory_space<hbm>>, %arg4: memref<10000x512xf32, #tpu.memory_space<hbm>>, %arg5: memref<32x16xf32, #tpu.memory_space<hbm>>, %arg6: memref<512xi32, #tpu.memory_space<vmem>>, %arg7: memref<7x16x512xf32, #tpu.memory_space<vmem>>, %arg8: memref<7x16x512xf32, #tpu.memory_space<vmem>>, %arg9: memref<16xf32, #tpu.memory_space<vmem>>, %arg10: memref<7x!tpu.dma_semaphore, #tpu.memory_space<semaphore_mem>>) attributes {dimension_semantics = [#tpu.dimension_semantics<core_parallel>, #tpu.dimension_semantics<subcore_parallel>], iteration_bounds = array<i64: 2, 16>, scalar_prefetch = 0 : i64, scratch_operands = 5 : i64, tpu.core_type = #tpu.core_type<sc_vector_subcore>, window_params = [{transform_indices = #map}, {transform_indices = #map1}, {transform_indices = #map}, {transform_indices = #map}]} {
    %mul3A = arith.constant 2 : i32
    %mul3A_0 = arith.muli %arg1, %mul3A : i32
    %add3A = arith.addi %mul3A_0, %arg0 : i32
    %mul3A_1 = arith.constant 512 : i32
    %mul3A_2 = arith.muli %add3A, %mul3A_1 : i32
    "tpu.region"() ({
      %run_scoped3A = tpu.sem_alloc : memref<!tpu.dma_semaphore, #tpu.memory_space<semaphore_mem>>
      %dma_start3A_235 = tpu.memref_slice %arg3[%mul3A_2] : memref<16384xi32, #tpu.memory_space<hbm>> -> memref<512xi32, #tpu.memory_space<hbm>>
      %dma_start3A_236 = tpu.memref_slice %arg3[%mul3A_2] : memref<16384xi32, #tpu.memory_space<hbm>> -> memref<512xi32, #tpu.memory_space<hbm>>
      tpu.enqueue_dma source(%dma_start3A_236 : memref<512xi32, #tpu.memory_space<hbm>>) target(%arg6 : memref<512xi32, #tpu.memory_space<vmem>>) target_semaphore(%run_scoped3A : memref<!tpu.dma_semaphore, #tpu.memory_space<semaphore_mem>>)
      %dma_wait3A = tpu.memref_slice %arg3[%mul3A_2] : memref<16384xi32, #tpu.memory_space<hbm>> -> memref<512xi32, #tpu.memory_space<hbm>>
      %dma_wait3A_237 = tpu.memref_slice %arg3[%mul3A_2] : memref<16384xi32, #tpu.memory_space<hbm>> -> memref<512xi32, #tpu.memory_space<hbm>>
      tpu.wait_dma2 semaphore(%run_scoped3A : memref<!tpu.dma_semaphore, #tpu.memory_space<semaphore_mem>>) src(%dma_wait3A_237 : memref<512xi32, #tpu.memory_space<hbm>>) dst(%arg6 : memref<512xi32, #tpu.memory_space<vmem>>)
      tpu.yield
    }) : () -> ()
    %add3A_3 = arith.constant 0 : i32
    %add3A_4 = arith.addi %mul3A_2, %add3A_3 : i32
    %dma_start3A = arith.constant 0 : i32
    %dma_start3A_5 = arith.constant 0 : i32
    %dma_start3A_6 = arith.constant 0 : i32
    %dma_start3A_7 = arith.constant 0 : i32
    %dma_start3A_8 = tpu.memref_slice %arg8[%dma_start3A, %dma_start3A_6, %dma_start3A_7] : memref<7x16x512xf32, #tpu.memory_space<vmem>> -> memref<1x16x512xf32, #tpu.memory_space<vmem>>
    %dma_start3A_9 = tpu.memref_squeeze %dma_start3A_8 : memref<1x16x512xf32, #tpu.memory_space<vmem>> -> memref<16x512xf32, #tpu.memory_space<vmem>>
    %dma_start3A_10 = arith.constant 0 : i32
    %dma_start3A_11 = tpu.memref_slice %arg6[%dma_start3A_10] : memref<512xi32, #tpu.memory_space<vmem>> -> memref<16xi32, #tpu.memory_space<vmem>>
    %dma_start3A_12 = arith.constant 0 : i32
    %dma_start3A_13 = arith.constant 0 : i32
    %dma_start3A_14 = tpu.memref_slice %arg4[%dma_start3A_12, %dma_start3A_13] : memref<10000x512xf32, #tpu.memory_space<hbm>> -> memref<10000x512xf32, #tpu.memory_space<hbm>>
    %dma_start3A_15 = tpu.memref_slice %arg10[%dma_start3A_5] : memref<7x!tpu.dma_semaphore, #tpu.memory_space<semaphore_mem>> -> memref<1x!tpu.dma_semaphore, #tpu.memory_space<semaphore_mem>>
    %dma_start3A_16 = tpu.memref_squeeze %dma_start3A_15 : memref<1x!tpu.dma_semaphore, #tpu.memory_space<semaphore_mem>> -> memref<!tpu.dma_semaphore, #tpu.memory_space<semaphore_mem>>
    tpu.enqueue_indirect_dma source(%dma_start3A_14 : memref<10000x512xf32, #tpu.memory_space<hbm>>) target(%dma_start3A_9 : memref<16x512xf32, #tpu.memory_space<vmem>>) offsets(%dma_start3A_11 : memref<16xi32, #tpu.memory_space<vmem>>) semaphore(%dma_start3A_16 : memref<!tpu.dma_semaphore, #tpu.memory_space<semaphore_mem>>)
    %dma_start3A_17 = arith.constant 0 : i32
    %dma_start3A_18 = arith.constant 0 : i32
    %dma_start3A_19 = arith.constant 0 : i32
    %dma_start3A_20 = arith.constant 0 : i32
    %dma_start3A_21 = tpu.memref_slice %arg7[%dma_start3A_17, %dma_start3A_19, %dma_start3A_20] : memref<7x16x512xf32, #tpu.memory_space<vmem>> -> memref<1x16x512xf32, #tpu.memory_space<vmem>>
    %dma_start3A_22 = tpu.memref_squeeze %dma_start3A_21 : memref<1x16x512xf32, #tpu.memory_space<vmem>> -> memref<16x512xf32, #tpu.memory_space<vmem>>
    %dma_start3A_23 = arith.constant 0 : i32
    %dma_start3A_24 = tpu.memref_slice %arg2[%add3A_4, %dma_start3A_23] : memref<16384x512xf32, #tpu.memory_space<hbm>> -> memref<16x512xf32, #tpu.memory_space<hbm>>
    %dma_start3A_25 = tpu.memref_slice %arg10[%dma_start3A_18] : memref<7x!tpu.dma_semaphore, #tpu.memory_space<semaphore_mem>> -> memref<1x!tpu.dma_semaphore, #tpu.memory_space<semaphore_mem>>
    %dma_start3A_26 = tpu.memref_squeeze %dma_start3A_25 : memref<1x!tpu.dma_semaphore, #tpu.memory_space<semaphore_mem>> -> memref<!tpu.dma_semaphore, #tpu.memory_space<semaphore_mem>>
    %dma_start3A_27 = arith.constant 0 : i32
    %dma_start3A_28 = arith.constant 0 : i32
    %dma_start3A_29 = tpu.memref_slice %arg7[%dma_start3A_17, %dma_start3A_27, %dma_start3A_28] : memref<7x16x512xf32, #tpu.memory_space<vmem>> -> memref<1x16x512xf32, #tpu.memory_space<vmem>>
    %dma_start3A_30 = tpu.memref_squeeze %dma_start3A_29 : memref<1x16x512xf32, #tpu.memory_space<vmem>> -> memref<16x512xf32, #tpu.memory_space<vmem>>
    %dma_start3A_31 = arith.constant 0 : i32
    %dma_start3A_32 = tpu.memref_slice %arg2[%add3A_4, %dma_start3A_31] : memref<16384x512xf32, #tpu.memory_space<hbm>> -> memref<16x512xf32, #tpu.memory_space<hbm>>
    tpu.enqueue_dma source(%dma_start3A_32 : memref<16x512xf32, #tpu.memory_space<hbm>>) target(%dma_start3A_30 : memref<16x512xf32, #tpu.memory_space<vmem>>) target_semaphore(%dma_start3A_26 : memref<!tpu.dma_semaphore, #tpu.memory_space<semaphore_mem>>)
    %add3A_33 = arith.constant 16 : i32
    %add3A_34 = arith.addi %mul3A_2, %add3A_33 : i32
    %dma_start3A_35 = arith.constant 1 : i32
    %dma_start3A_36 = arith.constant 1 : i32
    %dma_start3A_37 = arith.constant 0 : i32
    %dma_start3A_38 = arith.constant 0 : i32
    %dma_start3A_39 = tpu.memref_slice %arg8[%dma_start3A_35, %dma_start3A_37, %dma_start3A_38] : memref<7x16x512xf32, #tpu.memory_space<vmem>> -> memref<1x16x512xf32, #tpu.memory_space<vmem>>
    %dma_start3A_40 = tpu.memref_squeeze %dma_start3A_39 : memref<1x16x512xf32, #tpu.memory_space<vmem>> -> memref<16x512xf32, #tpu.memory_space<vmem>>
    %dma_start3A_41 = arith.constant 16 : i32
    %dma_start3A_42 = tpu.memref_slice %arg6[%dma_start3A_41] : memref<512xi32, #tpu.memory_space<vmem>> -> memref<16xi32, #tpu.memory_space<vmem>>
    %dma_start3A_43 = arith.constant 0 : i32
    %dma_start3A_44 = arith.constant 0 : i32
    %dma_start3A_45 = tpu.memref_slice %arg4[%dma_start3A_43, %dma_start3A_44] : memref<10000x512xf32, #tpu.memory_space<hbm>> -> memref<10000x512xf32, #tpu.memory_space<hbm>>
    %dma_start3A_46 = tpu.memref_slice %arg10[%dma_start3A_36] : memref<7x!tpu.dma_semaphore, #tpu.memory_space<semaphore_mem>> -> memref<1x!tpu.dma_semaphore, #tpu.memory_space<semaphore_mem>>
    %dma_start3A_47 = tpu.memref_squeeze %dma_start3A_46 : memref<1x!tpu.dma_semaphore, #tpu.memory_space<semaphore_mem>> -> memref<!tpu.dma_semaphore, #tpu.memory_space<semaphore_mem>>
    tpu.enqueue_indirect_dma source(%dma_start3A_45 : memref<10000x512xf32, #tpu.memory_space<hbm>>) target(%dma_start3A_40 : memref<16x512xf32, #tpu.memory_space<vmem>>) offsets(%dma_start3A_42 : memref<16xi32, #tpu.memory_space<vmem>>) semaphore(%dma_start3A_47 : memref<!tpu.dma_semaphore, #tpu.memory_space<semaphore_mem>>)
    %dma_start3A_48 = arith.constant 1 : i32
    %dma_start3A_49 = arith.constant 1 : i32
    %dma_start3A_50 = arith.constant 0 : i32
    %dma_start3A_51 = arith.constant 0 : i32
    %dma_start3A_52 = tpu.memref_slice %arg7[%dma_start3A_48, %dma_start3A_50, %dma_start3A_51] : memref<7x16x512xf32, #tpu.memory_space<vmem>> -> memref<1x16x512xf32, #tpu.memory_space<vmem>>
    %dma_start3A_53 = tpu.memref_squeeze %dma_start3A_52 : memref<1x16x512xf32, #tpu.memory_space<vmem>> -> memref<16x512xf32, #tpu.memory_space<vmem>>
    %dma_start3A_54 = arith.constant 0 : i32
    %dma_start3A_55 = tpu.memref_slice %arg2[%add3A_34, %dma_start3A_54] : memref<16384x512xf32, #tpu.memory_space<hbm>> -> memref<16x512xf32, #tpu.memory_space<hbm>>
    %dma_start3A_56 = tpu.memref_slice %arg10[%dma_start3A_49] : memref<7x!tpu.dma_semaphore, #tpu.memory_space<semaphore_mem>> -> memref<1x!tpu.dma_semaphore, #tpu.memory_space<semaphore_mem>>
    %dma_start3A_57 = tpu.memref_squeeze %dma_start3A_56 : memref<1x!tpu.dma_semaphore, #tpu.memory_space<semaphore_mem>> -> memref<!tpu.dma_semaphore, #tpu.memory_space<semaphore_mem>>
    %dma_start3A_58 = arith.constant 0 : i32
    %dma_start3A_59 = arith.constant 0 : i32
    %dma_start3A_60 = tpu.memref_slice %arg7[%dma_start3A_48, %dma_start3A_58, %dma_start3A_59] : memref<7x16x512xf32, #tpu.memory_space<vmem>> -> memref<1x16x512xf32, #tpu.memory_space<vmem>>
    %dma_start3A_61 = tpu.memref_squeeze %dma_start3A_60 : memref<1x16x512xf32, #tpu.memory_space<vmem>> -> memref<16x512xf32, #tpu.memory_space<vmem>>
    %dma_start3A_62 = arith.constant 0 : i32
    %dma_start3A_63 = tpu.memref_slice %arg2[%add3A_34, %dma_start3A_62] : memref<16384x512xf32, #tpu.memory_space<hbm>> -> memref<16x512xf32, #tpu.memory_space<hbm>>
    tpu.enqueue_dma source(%dma_start3A_63 : memref<16x512xf32, #tpu.memory_space<hbm>>) target(%dma_start3A_61 : memref<16x512xf32, #tpu.memory_space<vmem>>) target_semaphore(%dma_start3A_57 : memref<!tpu.dma_semaphore, #tpu.memory_space<semaphore_mem>>)
    %add3A_64 = arith.constant 32 : i32
    %add3A_65 = arith.addi %mul3A_2, %add3A_64 : i32
    %dma_start3A_66 = arith.constant 2 : i32
    %dma_start3A_67 = arith.constant 2 : i32
    %dma_start3A_68 = arith.constant 0 : i32
    %dma_start3A_69 = arith.constant 0 : i32
    %dma_start3A_70 = tpu.memref_slice %arg8[%dma_start3A_66, %dma_start3A_68, %dma_start3A_69] : memref<7x16x512xf32, #tpu.memory_space<vmem>> -> memref<1x16x512xf32, #tpu.memory_space<vmem>>
    %dma_start3A_71 = tpu.memref_squeeze %dma_start3A_70 : memref<1x16x512xf32, #tpu.memory_space<vmem>> -> memref<16x512xf32, #tpu.memory_space<vmem>>
    %dma_start3A_72 = arith.constant 32 : i32
    %dma_start3A_73 = tpu.memref_slice %arg6[%dma_start3A_72] : memref<512xi32, #tpu.memory_space<vmem>> -> memref<16xi32, #tpu.memory_space<vmem>>
    %dma_start3A_74 = arith.constant 0 : i32
    %dma_start3A_75 = arith.constant 0 : i32
    %dma_start3A_76 = tpu.memref_slice %arg4[%dma_start3A_74, %dma_start3A_75] : memref<10000x512xf32, #tpu.memory_space<hbm>> -> memref<10000x512xf32, #tpu.memory_space<hbm>>
    %dma_start3A_77 = tpu.memref_slice %arg10[%dma_start3A_67] : memref<7x!tpu.dma_semaphore, #tpu.memory_space<semaphore_mem>> -> memref<1x!tpu.dma_semaphore, #tpu.memory_space<semaphore_mem>>
    %dma_start3A_78 = tpu.memref_squeeze %dma_start3A_77 : memref<1x!tpu.dma_semaphore, #tpu.memory_space<semaphore_mem>> -> memref<!tpu.dma_semaphore, #tpu.memory_space<semaphore_mem>>
    tpu.enqueue_indirect_dma source(%dma_start3A_76 : memref<10000x512xf32, #tpu.memory_space<hbm>>) target(%dma_start3A_71 : memref<16x512xf32, #tpu.memory_space<vmem>>) offsets(%dma_start3A_73 : memref<16xi32, #tpu.memory_space<vmem>>) semaphore(%dma_start3A_78 : memref<!tpu.dma_semaphore, #tpu.memory_space<semaphore_mem>>)
    %dma_start3A_79 = arith.constant 2 : i32
    %dma_start3A_80 = arith.constant 2 : i32
    %dma_start3A_81 = arith.constant 0 : i32
    %dma_start3A_82 = arith.constant 0 : i32
    %dma_start3A_83 = tpu.memref_slice %arg7[%dma_start3A_79, %dma_start3A_81, %dma_start3A_82] : memref<7x16x512xf32, #tpu.memory_space<vmem>> -> memref<1x16x512xf32, #tpu.memory_space<vmem>>
    %dma_start3A_84 = tpu.memref_squeeze %dma_start3A_83 : memref<1x16x512xf32, #tpu.memory_space<vmem>> -> memref<16x512xf32, #tpu.memory_space<vmem>>
    %dma_start3A_85 = arith.constant 0 : i32
    %dma_start3A_86 = tpu.memref_slice %arg2[%add3A_65, %dma_start3A_85] : memref<16384x512xf32, #tpu.memory_space<hbm>> -> memref<16x512xf32, #tpu.memory_space<hbm>>
    %dma_start3A_87 = tpu.memref_slice %arg10[%dma_start3A_80] : memref<7x!tpu.dma_semaphore, #tpu.memory_space<semaphore_mem>> -> memref<1x!tpu.dma_semaphore, #tpu.memory_space<semaphore_mem>>
    %dma_start3A_88 = tpu.memref_squeeze %dma_start3A_87 : memref<1x!tpu.dma_semaphore, #tpu.memory_space<semaphore_mem>> -> memref<!tpu.dma_semaphore, #tpu.memory_space<semaphore_mem>>
    %dma_start3A_89 = arith.constant 0 : i32
    %dma_start3A_90 = arith.constant 0 : i32
    %dma_start3A_91 = tpu.memref_slice %arg7[%dma_start3A_79, %dma_start3A_89, %dma_start3A_90] : memref<7x16x512xf32, #tpu.memory_space<vmem>> -> memref<1x16x512xf32, #tpu.memory_space<vmem>>
    %dma_start3A_92 = tpu.memref_squeeze %dma_start3A_91 : memref<1x16x512xf32, #tpu.memory_space<vmem>> -> memref<16x512xf32, #tpu.memory_space<vmem>>
    %dma_start3A_93 = arith.constant 0 : i32
    %dma_start3A_94 = tpu.memref_slice %arg2[%add3A_65, %dma_start3A_93] : memref<16384x512xf32, #tpu.memory_space<hbm>> -> memref<16x512xf32, #tpu.memory_space<hbm>>
    tpu.enqueue_dma source(%dma_start3A_94 : memref<16x512xf32, #tpu.memory_space<hbm>>) target(%dma_start3A_92 : memref<16x512xf32, #tpu.memory_space<vmem>>) target_semaphore(%dma_start3A_88 : memref<!tpu.dma_semaphore, #tpu.memory_space<semaphore_mem>>)
    %add3A_95 = arith.constant 48 : i32
    %add3A_96 = arith.addi %mul3A_2, %add3A_95 : i32
    %dma_start3A_97 = arith.constant 3 : i32
    %dma_start3A_98 = arith.constant 3 : i32
    %dma_start3A_99 = arith.constant 0 : i32
    %dma_start3A_100 = arith.constant 0 : i32
    %dma_start3A_101 = tpu.memref_slice %arg8[%dma_start3A_97, %dma_start3A_99, %dma_start3A_100] : memref<7x16x512xf32, #tpu.memory_space<vmem>> -> memref<1x16x512xf32, #tpu.memory_space<vmem>>
    %dma_start3A_102 = tpu.memref_squeeze %dma_start3A_101 : memref<1x16x512xf32, #tpu.memory_space<vmem>> -> memref<16x512xf32, #tpu.memory_space<vmem>>
    %dma_start3A_103 = arith.constant 48 : i32
    %dma_start3A_104 = tpu.memref_slice %arg6[%dma_start3A_103] : memref<512xi32, #tpu.memory_space<vmem>> -> memref<16xi32, #tpu.memory_space<vmem>>
    %dma_start3A_105 = arith.constant 0 : i32
    %dma_start3A_106 = arith.constant 0 : i32
    %dma_start3A_107 = tpu.memref_slice %arg4[%dma_start3A_105, %dma_start3A_106] : memref<10000x512xf32, #tpu.memory_space<hbm>> -> memref<10000x512xf32, #tpu.memory_space<hbm>>
    %dma_start3A_108 = tpu.memref_slice %arg10[%dma_start3A_98] : memref<7x!tpu.dma_semaphore, #tpu.memory_space<semaphore_mem>> -> memref<1x!tpu.dma_semaphore, #tpu.memory_space<semaphore_mem>>
    %dma_start3A_109 = tpu.memref_squeeze %dma_start3A_108 : memref<1x!tpu.dma_semaphore, #tpu.memory_space<semaphore_mem>> -> memref<!tpu.dma_semaphore, #tpu.memory_space<semaphore_mem>>
    tpu.enqueue_indirect_dma source(%dma_start3A_107 : memref<10000x512xf32, #tpu.memory_space<hbm>>) target(%dma_start3A_102 : memref<16x512xf32, #tpu.memory_space<vmem>>) offsets(%dma_start3A_104 : memref<16xi32, #tpu.memory_space<vmem>>) semaphore(%dma_start3A_109 : memref<!tpu.dma_semaphore, #tpu.memory_space<semaphore_mem>>)
    %dma_start3A_110 = arith.constant 3 : i32
    %dma_start3A_111 = arith.constant 3 : i32
    %dma_start3A_112 = arith.constant 0 : i32
    %dma_start3A_113 = arith.constant 0 : i32
    %dma_start3A_114 = tpu.memref_slice %arg7[%dma_start3A_110, %dma_start3A_112, %dma_start3A_113] : memref<7x16x512xf32, #tpu.memory_space<vmem>> -> memref<1x16x512xf32, #tpu.memory_space<vmem>>
    %dma_start3A_115 = tpu.memref_squeeze %dma_start3A_114 : memref<1x16x512xf32, #tpu.memory_space<vmem>> -> memref<16x512xf32, #tpu.memory_space<vmem>>
    %dma_start3A_116 = arith.constant 0 : i32
    %dma_start3A_117 = tpu.memref_slice %arg2[%add3A_96, %dma_start3A_116] : memref<16384x512xf32, #tpu.memory_space<hbm>> -> memref<16x512xf32, #tpu.memory_space<hbm>>
    %dma_start3A_118 = tpu.memref_slice %arg10[%dma_start3A_111] : memref<7x!tpu.dma_semaphore, #tpu.memory_space<semaphore_mem>> -> memref<1x!tpu.dma_semaphore, #tpu.memory_space<semaphore_mem>>
    %dma_start3A_119 = tpu.memref_squeeze %dma_start3A_118 : memref<1x!tpu.dma_semaphore, #tpu.memory_space<semaphore_mem>> -> memref<!tpu.dma_semaphore, #tpu.memory_space<semaphore_mem>>
    %dma_start3A_120 = arith.constant 0 : i32
    %dma_start3A_121 = arith.constant 0 : i32
    %dma_start3A_122 = tpu.memref_slice %arg7[%dma_start3A_110, %dma_start3A_120, %dma_start3A_121] : memref<7x16x512xf32, #tpu.memory_space<vmem>> -> memref<1x16x512xf32, #tpu.memory_space<vmem>>
    %dma_start3A_123 = tpu.memref_squeeze %dma_start3A_122 : memref<1x16x512xf32, #tpu.memory_space<vmem>> -> memref<16x512xf32, #tpu.memory_space<vmem>>
    %dma_start3A_124 = arith.constant 0 : i32
    %dma_start3A_125 = tpu.memref_slice %arg2[%add3A_96, %dma_start3A_124] : memref<16384x512xf32, #tpu.memory_space<hbm>> -> memref<16x512xf32, #tpu.memory_space<hbm>>
    tpu.enqueue_dma source(%dma_start3A_125 : memref<16x512xf32, #tpu.memory_space<hbm>>) target(%dma_start3A_123 : memref<16x512xf32, #tpu.memory_space<vmem>>) target_semaphore(%dma_start3A_119 : memref<!tpu.dma_semaphore, #tpu.memory_space<semaphore_mem>>)
    %add3A_126 = arith.constant 64 : i32
    %add3A_127 = arith.addi %mul3A_2, %add3A_126 : i32
    %dma_start3A_128 = arith.constant 4 : i32
    %dma_start3A_129 = arith.constant 4 : i32
    %dma_start3A_130 = arith.constant 0 : i32
    %dma_start3A_131 = arith.constant 0 : i32
    %dma_start3A_132 = tpu.memref_slice %arg8[%dma_start3A_128, %dma_start3A_130, %dma_start3A_131] : memref<7x16x512xf32, #tpu.memory_space<vmem>> -> memref<1x16x512xf32, #tpu.memory_space<vmem>>
    %dma_start3A_133 = tpu.memref_squeeze %dma_start3A_132 : memref<1x16x512xf32, #tpu.memory_space<vmem>> -> memref<16x512xf32, #tpu.memory_space<vmem>>
    %dma_start3A_134 = arith.constant 64 : i32
    %dma_start3A_135 = tpu.memref_slice %arg6[%dma_start3A_134] : memref<512xi32, #tpu.memory_space<vmem>> -> memref<16xi32, #tpu.memory_space<vmem>>
    %dma_start3A_136 = arith.constant 0 : i32
    %dma_start3A_137 = arith.constant 0 : i32
    %dma_start3A_138 = tpu.memref_slice %arg4[%dma_start3A_136, %dma_start3A_137] : memref<10000x512xf32, #tpu.memory_space<hbm>> -> memref<10000x512xf32, #tpu.memory_space<hbm>>
    %dma_start3A_139 = tpu.memref_slice %arg10[%dma_start3A_129] : memref<7x!tpu.dma_semaphore, #tpu.memory_space<semaphore_mem>> -> memref<1x!tpu.dma_semaphore, #tpu.memory_space<semaphore_mem>>
    %dma_start3A_140 = tpu.memref_squeeze %dma_start3A_139 : memref<1x!tpu.dma_semaphore, #tpu.memory_space<semaphore_mem>> -> memref<!tpu.dma_semaphore, #tpu.memory_space<semaphore_mem>>
    tpu.enqueue_indirect_dma source(%dma_start3A_138 : memref<10000x512xf32, #tpu.memory_space<hbm>>) target(%dma_start3A_133 : memref<16x512xf32, #tpu.memory_space<vmem>>) offsets(%dma_start3A_135 : memref<16xi32, #tpu.memory_space<vmem>>) semaphore(%dma_start3A_140 : memref<!tpu.dma_semaphore, #tpu.memory_space<semaphore_mem>>)
    %dma_start3A_141 = arith.constant 4 : i32
    %dma_start3A_142 = arith.constant 4 : i32
    %dma_start3A_143 = arith.constant 0 : i32
    %dma_start3A_144 = arith.constant 0 : i32
    %dma_start3A_145 = tpu.memref_slice %arg7[%dma_start3A_141, %dma_start3A_143, %dma_start3A_144] : memref<7x16x512xf32, #tpu.memory_space<vmem>> -> memref<1x16x512xf32, #tpu.memory_space<vmem>>
    %dma_start3A_146 = tpu.memref_squeeze %dma_start3A_145 : memref<1x16x512xf32, #tpu.memory_space<vmem>> -> memref<16x512xf32, #tpu.memory_space<vmem>>
    %dma_start3A_147 = arith.constant 0 : i32
    %dma_start3A_148 = tpu.memref_slice %arg2[%add3A_127, %dma_start3A_147] : memref<16384x512xf32, #tpu.memory_space<hbm>> -> memref<16x512xf32, #tpu.memory_space<hbm>>
    %dma_start3A_149 = tpu.memref_slice %arg10[%dma_start3A_142] : memref<7x!tpu.dma_semaphore, #tpu.memory_space<semaphore_mem>> -> memref<1x!tpu.dma_semaphore, #tpu.memory_space<semaphore_mem>>
    %dma_start3A_150 = tpu.memref_squeeze %dma_start3A_149 : memref<1x!tpu.dma_semaphore, #tpu.memory_space<semaphore_mem>> -> memref<!tpu.dma_semaphore, #tpu.memory_space<semaphore_mem>>
    %dma_start3A_151 = arith.constant 0 : i32
    %dma_start3A_152 = arith.constant 0 : i32
    %dma_start3A_153 = tpu.memref_slice %arg7[%dma_start3A_141, %dma_start3A_151, %dma_start3A_152] : memref<7x16x512xf32, #tpu.memory_space<vmem>> -> memref<1x16x512xf32, #tpu.memory_space<vmem>>
    %dma_start3A_154 = tpu.memref_squeeze %dma_start3A_153 : memref<1x16x512xf32, #tpu.memory_space<vmem>> -> memref<16x512xf32, #tpu.memory_space<vmem>>
    %dma_start3A_155 = arith.constant 0 : i32
    %dma_start3A_156 = tpu.memref_slice %arg2[%add3A_127, %dma_start3A_155] : memref<16384x512xf32, #tpu.memory_space<hbm>> -> memref<16x512xf32, #tpu.memory_space<hbm>>
    tpu.enqueue_dma source(%dma_start3A_156 : memref<16x512xf32, #tpu.memory_space<hbm>>) target(%dma_start3A_154 : memref<16x512xf32, #tpu.memory_space<vmem>>) target_semaphore(%dma_start3A_150 : memref<!tpu.dma_semaphore, #tpu.memory_space<semaphore_mem>>)
    %add3A_157 = arith.constant 80 : i32
    %add3A_158 = arith.addi %mul3A_2, %add3A_157 : i32
    %dma_start3A_159 = arith.constant 5 : i32
    %dma_start3A_160 = arith.constant 5 : i32
    %dma_start3A_161 = arith.constant 0 : i32
    %dma_start3A_162 = arith.constant 0 : i32
    %dma_start3A_163 = tpu.memref_slice %arg8[%dma_start3A_159, %dma_start3A_161, %dma_start3A_162] : memref<7x16x512xf32, #tpu.memory_space<vmem>> -> memref<1x16x512xf32, #tpu.memory_space<vmem>>
    %dma_start3A_164 = tpu.memref_squeeze %dma_start3A_163 : memref<1x16x512xf32, #tpu.memory_space<vmem>> -> memref<16x512xf32, #tpu.memory_space<vmem>>
    %dma_start3A_165 = arith.constant 80 : i32
    %dma_start3A_166 = tpu.memref_slice %arg6[%dma_start3A_165] : memref<512xi32, #tpu.memory_space<vmem>> -> memref<16xi32, #tpu.memory_space<vmem>>
    %dma_start3A_167 = arith.constant 0 : i32
    %dma_start3A_168 = arith.constant 0 : i32
    %dma_start3A_169 = tpu.memref_slice %arg4[%dma_start3A_167, %dma_start3A_168] : memref<10000x512xf32, #tpu.memory_space<hbm>> -> memref<10000x512xf32, #tpu.memory_space<hbm>>
    %dma_start3A_170 = tpu.memref_slice %arg10[%dma_start3A_160] : memref<7x!tpu.dma_semaphore, #tpu.memory_space<semaphore_mem>> -> memref<1x!tpu.dma_semaphore, #tpu.memory_space<semaphore_mem>>
    %dma_start3A_171 = tpu.memref_squeeze %dma_start3A_170 : memref<1x!tpu.dma_semaphore, #tpu.memory_space<semaphore_mem>> -> memref<!tpu.dma_semaphore, #tpu.memory_space<semaphore_mem>>
    tpu.enqueue_indirect_dma source(%dma_start3A_169 : memref<10000x512xf32, #tpu.memory_space<hbm>>) target(%dma_start3A_164 : memref<16x512xf32, #tpu.memory_space<vmem>>) offsets(%dma_start3A_166 : memref<16xi32, #tpu.memory_space<vmem>>) semaphore(%dma_start3A_171 : memref<!tpu.dma_semaphore, #tpu.memory_space<semaphore_mem>>)
    %dma_start3A_172 = arith.constant 5 : i32
    %dma_start3A_173 = arith.constant 5 : i32
    %dma_start3A_174 = arith.constant 0 : i32
    %dma_start3A_175 = arith.constant 0 : i32
    %dma_start3A_176 = tpu.memref_slice %arg7[%dma_start3A_172, %dma_start3A_174, %dma_start3A_175] : memref<7x16x512xf32, #tpu.memory_space<vmem>> -> memref<1x16x512xf32, #tpu.memory_space<vmem>>
    %dma_start3A_177 = tpu.memref_squeeze %dma_start3A_176 : memref<1x16x512xf32, #tpu.memory_space<vmem>> -> memref<16x512xf32, #tpu.memory_space<vmem>>
    %dma_start3A_178 = arith.constant 0 : i32
    %dma_start3A_179 = tpu.memref_slice %arg2[%add3A_158, %dma_start3A_178] : memref<16384x512xf32, #tpu.memory_space<hbm>> -> memref<16x512xf32, #tpu.memory_space<hbm>>
    %dma_start3A_180 = tpu.memref_slice %arg10[%dma_start3A_173] : memref<7x!tpu.dma_semaphore, #tpu.memory_space<semaphore_mem>> -> memref<1x!tpu.dma_semaphore, #tpu.memory_space<semaphore_mem>>
    %dma_start3A_181 = tpu.memref_squeeze %dma_start3A_180 : memref<1x!tpu.dma_semaphore, #tpu.memory_space<semaphore_mem>> -> memref<!tpu.dma_semaphore, #tpu.memory_space<semaphore_mem>>
    %dma_start3A_182 = arith.constant 0 : i32
    %dma_start3A_183 = arith.constant 0 : i32
    %dma_start3A_184 = tpu.memref_slice %arg7[%dma_start3A_172, %dma_start3A_182, %dma_start3A_183] : memref<7x16x512xf32, #tpu.memory_space<vmem>> -> memref<1x16x512xf32, #tpu.memory_space<vmem>>
    %dma_start3A_185 = tpu.memref_squeeze %dma_start3A_184 : memref<1x16x512xf32, #tpu.memory_space<vmem>> -> memref<16x512xf32, #tpu.memory_space<vmem>>
    %dma_start3A_186 = arith.constant 0 : i32
    %dma_start3A_187 = tpu.memref_slice %arg2[%add3A_158, %dma_start3A_186] : memref<16384x512xf32, #tpu.memory_space<hbm>> -> memref<16x512xf32, #tpu.memory_space<hbm>>
    tpu.enqueue_dma source(%dma_start3A_187 : memref<16x512xf32, #tpu.memory_space<hbm>>) target(%dma_start3A_185 : memref<16x512xf32, #tpu.memory_space<vmem>>) target_semaphore(%dma_start3A_181 : memref<!tpu.dma_semaphore, #tpu.memory_space<semaphore_mem>>)
    %add3A_188 = arith.constant 96 : i32
    %add3A_189 = arith.addi %mul3A_2, %add3A_188 : i32
    %dma_start3A_190 = arith.constant 6 : i32
    %dma_start3A_191 = arith.constant 6 : i32
    %dma_start3A_192 = arith.constant 0 : i32
    %dma_start3A_193 = arith.constant 0 : i32
    %dma_start3A_194 = tpu.memref_slice %arg8[%dma_start3A_190, %dma_start3A_192, %dma_start3A_193] : memref<7x16x512xf32, #tpu.memory_space<vmem>> -> memref<1x16x512xf32, #tpu.memory_space<vmem>>
    %dma_start3A_195 = tpu.memref_squeeze %dma_start3A_194 : memref<1x16x512xf32, #tpu.memory_space<vmem>> -> memref<16x512xf32, #tpu.memory_space<vmem>>
    %dma_start3A_196 = arith.constant 96 : i32
    %dma_start3A_197 = tpu.memref_slice %arg6[%dma_start3A_196] : memref<512xi32, #tpu.memory_space<vmem>> -> memref<16xi32, #tpu.memory_space<vmem>>
    %dma_start3A_198 = arith.constant 0 : i32
    %dma_start3A_199 = arith.constant 0 : i32
    %dma_start3A_200 = tpu.memref_slice %arg4[%dma_start3A_198, %dma_start3A_199] : memref<10000x512xf32, #tpu.memory_space<hbm>> -> memref<10000x512xf32, #tpu.memory_space<hbm>>
    %dma_start3A_201 = tpu.memref_slice %arg10[%dma_start3A_191] : memref<7x!tpu.dma_semaphore, #tpu.memory_space<semaphore_mem>> -> memref<1x!tpu.dma_semaphore, #tpu.memory_space<semaphore_mem>>
    %dma_start3A_202 = tpu.memref_squeeze %dma_start3A_201 : memref<1x!tpu.dma_semaphore, #tpu.memory_space<semaphore_mem>> -> memref<!tpu.dma_semaphore, #tpu.memory_space<semaphore_mem>>
    tpu.enqueue_indirect_dma source(%dma_start3A_200 : memref<10000x512xf32, #tpu.memory_space<hbm>>) target(%dma_start3A_195 : memref<16x512xf32, #tpu.memory_space<vmem>>) offsets(%dma_start3A_197 : memref<16xi32, #tpu.memory_space<vmem>>) semaphore(%dma_start3A_202 : memref<!tpu.dma_semaphore, #tpu.memory_space<semaphore_mem>>)
    %dma_start3A_203 = arith.constant 6 : i32
    %dma_start3A_204 = arith.constant 6 : i32
    %dma_start3A_205 = arith.constant 0 : i32
    %dma_start3A_206 = arith.constant 0 : i32
    %dma_start3A_207 = tpu.memref_slice %arg7[%dma_start3A_203, %dma_start3A_205, %dma_start3A_206] : memref<7x16x512xf32, #tpu.memory_space<vmem>> -> memref<1x16x512xf32, #tpu.memory_space<vmem>>
    %dma_start3A_208 = tpu.memref_squeeze %dma_start3A_207 : memref<1x16x512xf32, #tpu.memory_space<vmem>> -> memref<16x512xf32, #tpu.memory_space<vmem>>
    %dma_start3A_209 = arith.constant 0 : i32
    %dma_start3A_210 = tpu.memref_slice %arg2[%add3A_189, %dma_start3A_209] : memref<16384x512xf32, #tpu.memory_space<hbm>> -> memref<16x512xf32, #tpu.memory_space<hbm>>
    %dma_start3A_211 = tpu.memref_slice %arg10[%dma_start3A_204] : memref<7x!tpu.dma_semaphore, #tpu.memory_space<semaphore_mem>> -> memref<1x!tpu.dma_semaphore, #tpu.memory_space<semaphore_mem>>
    %dma_start3A_212 = tpu.memref_squeeze %dma_start3A_211 : memref<1x!tpu.dma_semaphore, #tpu.memory_space<semaphore_mem>> -> memref<!tpu.dma_semaphore, #tpu.memory_space<semaphore_mem>>
    %dma_start3A_213 = arith.constant 0 : i32
    %dma_start3A_214 = arith.constant 0 : i32
    %dma_start3A_215 = tpu.memref_slice %arg7[%dma_start3A_203, %dma_start3A_213, %dma_start3A_214] : memref<7x16x512xf32, #tpu.memory_space<vmem>> -> memref<1x16x512xf32, #tpu.memory_space<vmem>>
    %dma_start3A_216 = tpu.memref_squeeze %dma_start3A_215 : memref<1x16x512xf32, #tpu.memory_space<vmem>> -> memref<16x512xf32, #tpu.memory_space<vmem>>
    %dma_start3A_217 = arith.constant 0 : i32
    %dma_start3A_218 = tpu.memref_slice %arg2[%add3A_189, %dma_start3A_217] : memref<16384x512xf32, #tpu.memory_space<hbm>> -> memref<16x512xf32, #tpu.memory_space<hbm>>
    tpu.enqueue_dma source(%dma_start3A_218 : memref<16x512xf32, #tpu.memory_space<hbm>>) target(%dma_start3A_216 : memref<16x512xf32, #tpu.memory_space<vmem>>) target_semaphore(%dma_start3A_212 : memref<!tpu.dma_semaphore, #tpu.memory_space<semaphore_mem>>)
    %broadcast_in_dim3A = arith.constant 0.000000e+00 : f32
    %broadcast_in_dim3A_219 = vector.broadcast %broadcast_in_dim3A : f32 to vector<16xf32>
    %scan3A = arith.constant 0 : i32
    %scan3A_220 = arith.constant 32 : i32
    %scan3A_221 = arith.addi %scan3A, %scan3A_220 : i32
    %scan3A_222 = arith.constant 1 : i32
    %scan3A_223:8 = scf.for %scan3A_235 = %scan3A to %scan3A_221 step %scan3A_222 iter_args(%scan3A_236 = %broadcast_in_dim3A_219, %scan3A_237 = %broadcast_in_dim3A_219, %scan3A_238 = %broadcast_in_dim3A_219, %scan3A_239 = %broadcast_in_dim3A_219, %scan3A_240 = %broadcast_in_dim3A_219, %scan3A_241 = %broadcast_in_dim3A_219, %scan3A_242 = %broadcast_in_dim3A_219, %scan3A_243 = %broadcast_in_dim3A_219) -> (vector<16xf32>, vector<16xf32>, vector<16xf32>, vector<16xf32>, vector<16xf32>, vector<16xf32>, vector<16xf32>, vector<16xf32>)  : i32 {
      %rem3A = arith.constant 7 : i32
      %rem3A_244 = arith.remsi %scan3A_235, %rem3A : i32
      %dma_wait3A = arith.constant 0 : i32
      %dma_wait3A_245 = arith.constant 0 : i32
      %dma_wait3A_246 = tpu.memref_slice %arg8[%rem3A_244, %dma_wait3A, %dma_wait3A_245] : memref<7x16x512xf32, #tpu.memory_space<vmem>> -> memref<1x16x512xf32, #tpu.memory_space<vmem>>
      %dma_wait3A_247 = tpu.memref_squeeze %dma_wait3A_246 : memref<1x16x512xf32, #tpu.memory_space<vmem>> -> memref<16x512xf32, #tpu.memory_space<vmem>>
      %dma_wait3A_248 = arith.constant 0 : i32
      %dma_wait3A_249 = arith.constant 0 : i32
      %dma_wait3A_250 = tpu.memref_slice %arg2[%dma_wait3A_248, %dma_wait3A_249] : memref<16384x512xf32, #tpu.memory_space<hbm>> -> memref<16x512xf32, #tpu.memory_space<hbm>>
      %dma_wait3A_251 = tpu.memref_slice %arg10[%rem3A_244] : memref<7x!tpu.dma_semaphore, #tpu.memory_space<semaphore_mem>> -> memref<1x!tpu.dma_semaphore, #tpu.memory_space<semaphore_mem>>
      %dma_wait3A_252 = tpu.memref_squeeze %dma_wait3A_251 : memref<1x!tpu.dma_semaphore, #tpu.memory_space<semaphore_mem>> -> memref<!tpu.dma_semaphore, #tpu.memory_space<semaphore_mem>>
      %dma_wait3A_253 = arith.constant 0 : i32
      %dma_wait3A_254 = arith.constant 0 : i32
      %dma_wait3A_255 = tpu.memref_slice %arg8[%rem3A_244, %dma_wait3A_253, %dma_wait3A_254] : memref<7x16x512xf32, #tpu.memory_space<vmem>> -> memref<1x16x512xf32, #tpu.memory_space<vmem>>
      %dma_wait3A_256 = tpu.memref_squeeze %dma_wait3A_255 : memref<1x16x512xf32, #tpu.memory_space<vmem>> -> memref<16x512xf32, #tpu.memory_space<vmem>>
      %dma_wait3A_257 = arith.constant 0 : i32
      %dma_wait3A_258 = arith.constant 0 : i32
      %dma_wait3A_259 = tpu.memref_slice %arg2[%dma_wait3A_257, %dma_wait3A_258] : memref<16384x512xf32, #tpu.memory_space<hbm>> -> memref<16x512xf32, #tpu.memory_space<hbm>>
      tpu.wait_dma2 semaphore(%dma_wait3A_252 : memref<!tpu.dma_semaphore, #tpu.memory_space<semaphore_mem>>) src(%dma_wait3A_259 : memref<16x512xf32, #tpu.memory_space<hbm>>) dst(%dma_wait3A_256 : memref<16x512xf32, #tpu.memory_space<vmem>>)
      %dma_wait3A_260 = arith.constant 0 : i32
      %dma_wait3A_261 = arith.constant 0 : i32
      %dma_wait3A_262 = tpu.memref_slice %arg7[%rem3A_244, %dma_wait3A_260, %dma_wait3A_261] : memref<7x16x512xf32, #tpu.memory_space<vmem>> -> memref<1x16x512xf32, #tpu.memory_space<vmem>>
      %dma_wait3A_263 = tpu.memref_squeeze %dma_wait3A_262 : memref<1x16x512xf32, #tpu.memory_space<vmem>> -> memref<16x512xf32, #tpu.memory_space<vmem>>
      %dma_wait3A_264 = arith.constant 0 : i32
      %dma_wait3A_265 = arith.constant 0 : i32
      %dma_wait3A_266 = tpu.memref_slice %arg2[%dma_wait3A_264, %dma_wait3A_265] : memref<16384x512xf32, #tpu.memory_space<hbm>> -> memref<16x512xf32, #tpu.memory_space<hbm>>
      %dma_wait3A_267 = tpu.memref_slice %arg10[%rem3A_244] : memref<7x!tpu.dma_semaphore, #tpu.memory_space<semaphore_mem>> -> memref<1x!tpu.dma_semaphore, #tpu.memory_space<semaphore_mem>>
      %dma_wait3A_268 = tpu.memref_squeeze %dma_wait3A_267 : memref<1x!tpu.dma_semaphore, #tpu.memory_space<semaphore_mem>> -> memref<!tpu.dma_semaphore, #tpu.memory_space<semaphore_mem>>
      %dma_wait3A_269 = arith.constant 0 : i32
      %dma_wait3A_270 = arith.constant 0 : i32
      %dma_wait3A_271 = tpu.memref_slice %arg7[%rem3A_244, %dma_wait3A_269, %dma_wait3A_270] : memref<7x16x512xf32, #tpu.memory_space<vmem>> -> memref<1x16x512xf32, #tpu.memory_space<vmem>>
      %dma_wait3A_272 = tpu.memref_squeeze %dma_wait3A_271 : memref<1x16x512xf32, #tpu.memory_space<vmem>> -> memref<16x512xf32, #tpu.memory_space<vmem>>
      %dma_wait3A_273 = arith.constant 0 : i32
      %dma_wait3A_274 = arith.constant 0 : i32
      %dma_wait3A_275 = tpu.memref_slice %arg2[%dma_wait3A_273, %dma_wait3A_274] : memref<16384x512xf32, #tpu.memory_space<hbm>> -> memref<16x512xf32, #tpu.memory_space<hbm>>
      tpu.wait_dma2 semaphore(%dma_wait3A_268 : memref<!tpu.dma_semaphore, #tpu.memory_space<semaphore_mem>>) src(%dma_wait3A_275 : memref<16x512xf32, #tpu.memory_space<hbm>>) dst(%dma_wait3A_272 : memref<16x512xf32, #tpu.memory_space<vmem>>)
      %parallel_loop3A = arith.constant 0 : i32
      %parallel_loop3A_276 = arith.constant 16 : i32
      %parallel_loop3A_277 = arith.constant 1 : i32
      %parallel_loop3A_278:8 = scf.for %parallel_loop3A_283 = %parallel_loop3A to %parallel_loop3A_276 step %parallel_loop3A_277 iter_args(%parallel_loop3A_284 = %scan3A_236, %parallel_loop3A_285 = %scan3A_237, %parallel_loop3A_286 = %scan3A_238, %parallel_loop3A_287 = %scan3A_239, %parallel_loop3A_288 = %scan3A_240, %parallel_loop3A_289 = %scan3A_241, %parallel_loop3A_290 = %scan3A_242, %parallel_loop3A_291 = %scan3A_243) -> (vector<16xf32>, vector<16xf32>, vector<16xf32>, vector<16xf32>, vector<16xf32>, vector<16xf32>, vector<16xf32>, vector<16xf32>)  : i32 {
        %parallel_loop3A_292 = arith.index_cast %rem3A_244 : i32 to index
        %parallel_loop3A_293 = arith.index_cast %parallel_loop3A_283 : i32 to index
        %parallel_loop3A_294 = arith.constant 0 : index
        %parallel_loop3A_295 = tpu.vector_load %arg7[%parallel_loop3A_292, %parallel_loop3A_293, %parallel_loop3A_294] {strides = array<i32>} : memref<7x16x512xf32, #tpu.memory_space<vmem>>, vector<1x1x16xf32>,
        %parallel_loop3A_296 = vector.shape_cast %parallel_loop3A_295 : vector<1x1x16xf32> to vector<16xf32>
        %parallel_loop3A_297 = arith.index_cast %rem3A_244 : i32 to index
        %parallel_loop3A_298 = arith.index_cast %parallel_loop3A_283 : i32 to index
        %parallel_loop3A_299 = arith.constant 0 : index
        %parallel_loop3A_300 = tpu.vector_load %arg8[%parallel_loop3A_297, %parallel_loop3A_298, %parallel_loop3A_299] {strides = array<i32>} : memref<7x16x512xf32, #tpu.memory_space<vmem>>, vector<1x1x16xf32>,
        %parallel_loop3A_301 = vector.shape_cast %parallel_loop3A_300 : vector<1x1x16xf32> to vector<16xf32>
        %parallel_loop3A_302 = arith.subf %parallel_loop3A_296, %parallel_loop3A_301 : vector<16xf32>
        %parallel_loop3A_303 = arith.mulf %parallel_loop3A_302, %parallel_loop3A_302 : vector<16xf32>
        %parallel_loop3A_304 = arith.addf %parallel_loop3A_284, %parallel_loop3A_303 : vector<16xf32>
        %parallel_loop3A_305 = arith.index_cast %rem3A_244 : i32 to index
        %parallel_loop3A_306 = arith.index_cast %parallel_loop3A_283 : i32 to index
        %parallel_loop3A_307 = arith.constant 16 : index
        %parallel_loop3A_308 = tpu.vector_load %arg7[%parallel_loop3A_305, %parallel_loop3A_306, %parallel_loop3A_307] {strides = array<i32>} : memref<7x16x512xf32, #tpu.memory_space<vmem>>, vector<1x1x16xf32>,
        %parallel_loop3A_309 = vector.shape_cast %parallel_loop3A_308 : vector<1x1x16xf32> to vector<16xf32>
        %parallel_loop3A_310 = arith.index_cast %rem3A_244 : i32 to index
        %parallel_loop3A_311 = arith.index_cast %parallel_loop3A_283 : i32 to index
        %parallel_loop3A_312 = arith.constant 16 : index
        %parallel_loop3A_313 = tpu.vector_load %arg8[%parallel_loop3A_310, %parallel_loop3A_311, %parallel_loop3A_312] {strides = array<i32>} : memref<7x16x512xf32, #tpu.memory_space<vmem>>, vector<1x1x16xf32>,
        %parallel_loop3A_314 = vector.shape_cast %parallel_loop3A_313 : vector<1x1x16xf32> to vector<16xf32>
        %parallel_loop3A_315 = arith.subf %parallel_loop3A_309, %parallel_loop3A_314 : vector<16xf32>
        %parallel_loop3A_316 = arith.mulf %parallel_loop3A_315, %parallel_loop3A_315 : vector<16xf32>
        %parallel_loop3A_317 = arith.addf %parallel_loop3A_285, %parallel_loop3A_316 : vector<16xf32>
        %parallel_loop3A_318 = arith.index_cast %rem3A_244 : i32 to index
        %parallel_loop3A_319 = arith.index_cast %parallel_loop3A_283 : i32 to index
        %parallel_loop3A_320 = arith.constant 32 : index
        %parallel_loop3A_321 = tpu.vector_load %arg7[%parallel_loop3A_318, %parallel_loop3A_319, %parallel_loop3A_320] {strides = array<i32>} : memref<7x16x512xf32, #tpu.memory_space<vmem>>, vector<1x1x16xf32>,
        %parallel_loop3A_322 = vector.shape_cast %parallel_loop3A_321 : vector<1x1x16xf32> to vector<16xf32>
        %parallel_loop3A_323 = arith.index_cast %rem3A_244 : i32 to index
        %parallel_loop3A_324 = arith.index_cast %parallel_loop3A_283 : i32 to index
        %parallel_loop3A_325 = arith.constant 32 : index
        %parallel_loop3A_326 = tpu.vector_load %arg8[%parallel_loop3A_323, %parallel_loop3A_324, %parallel_loop3A_325] {strides = array<i32>} : memref<7x16x512xf32, #tpu.memory_space<vmem>>, vector<1x1x16xf32>,
        %parallel_loop3A_327 = vector.shape_cast %parallel_loop3A_326 : vector<1x1x16xf32> to vector<16xf32>
        %parallel_loop3A_328 = arith.subf %parallel_loop3A_322, %parallel_loop3A_327 : vector<16xf32>
        %parallel_loop3A_329 = arith.mulf %parallel_loop3A_328, %parallel_loop3A_328 : vector<16xf32>
        %parallel_loop3A_330 = arith.addf %parallel_loop3A_286, %parallel_loop3A_329 : vector<16xf32>
        %parallel_loop3A_331 = arith.index_cast %rem3A_244 : i32 to index
        %parallel_loop3A_332 = arith.index_cast %parallel_loop3A_283 : i32 to index
        %parallel_loop3A_333 = arith.constant 48 : index
        %parallel_loop3A_334 = tpu.vector_load %arg7[%parallel_loop3A_331, %parallel_loop3A_332, %parallel_loop3A_333] {strides = array<i32>} : memref<7x16x512xf32, #tpu.memory_space<vmem>>, vector<1x1x16xf32>,
        %parallel_loop3A_335 = vector.shape_cast %parallel_loop3A_334 : vector<1x1x16xf32> to vector<16xf32>
        %parallel_loop3A_336 = arith.index_cast %rem3A_244 : i32 to index
        %parallel_loop3A_337 = arith.index_cast %parallel_loop3A_283 : i32 to index
        %parallel_loop3A_338 = arith.constant 48 : index
        %parallel_loop3A_339 = tpu.vector_load %arg8[%parallel_loop3A_336, %parallel_loop3A_337, %parallel_loop3A_338] {strides = array<i32>} : memref<7x16x512xf32, #tpu.memory_space<vmem>>, vector<1x1x16xf32>,
        %parallel_loop3A_340 = vector.shape_cast %parallel_loop3A_339 : vector<1x1x16xf32> to vector<16xf32>
        %parallel_loop3A_341 = arith.subf %parallel_loop3A_335, %parallel_loop3A_340 : vector<16xf32>
        %parallel_loop3A_342 = arith.mulf %parallel_loop3A_341, %parallel_loop3A_341 : vector<16xf32>
        %parallel_loop3A_343 = arith.addf %parallel_loop3A_287, %parallel_loop3A_342 : vector<16xf32>
        %parallel_loop3A_344 = arith.index_cast %rem3A_244 : i32 to index
        %parallel_loop3A_345 = arith.index_cast %parallel_loop3A_283 : i32 to index
        %parallel_loop3A_346 = arith.constant 64 : index
        %parallel_loop3A_347 = tpu.vector_load %arg7[%parallel_loop3A_344, %parallel_loop3A_345, %parallel_loop3A_346] {strides = array<i32>} : memref<7x16x512xf32, #tpu.memory_space<vmem>>, vector<1x1x16xf32>,
        %parallel_loop3A_348 = vector.shape_cast %parallel_loop3A_347 : vector<1x1x16xf32> to vector<16xf32>
        %parallel_loop3A_349 = arith.index_cast %rem3A_244 : i32 to index
        %parallel_loop3A_350 = arith.index_cast %parallel_loop3A_283 : i32 to index
        %parallel_loop3A_351 = arith.constant 64 : index
        %parallel_loop3A_352 = tpu.vector_load %arg8[%parallel_loop3A_349, %parallel_loop3A_350, %parallel_loop3A_351] {strides = array<i32>} : memref<7x16x512xf32, #tpu.memory_space<vmem>>, vector<1x1x16xf32>,
        %parallel_loop3A_353 = vector.shape_cast %parallel_loop3A_352 : vector<1x1x16xf32> to vector<16xf32>
        %parallel_loop3A_354 = arith.subf %parallel_loop3A_348, %parallel_loop3A_353 : vector<16xf32>
        %parallel_loop3A_355 = arith.mulf %parallel_loop3A_354, %parallel_loop3A_354 : vector<16xf32>
        %parallel_loop3A_356 = arith.addf %parallel_loop3A_288, %parallel_loop3A_355 : vector<16xf32>
        %parallel_loop3A_357 = arith.index_cast %rem3A_244 : i32 to index
        %parallel_loop3A_358 = arith.index_cast %parallel_loop3A_283 : i32 to index
        %parallel_loop3A_359 = arith.constant 80 : index
        %parallel_loop3A_360 = tpu.vector_load %arg7[%parallel_loop3A_357, %parallel_loop3A_358, %parallel_loop3A_359] {strides = array<i32>} : memref<7x16x512xf32, #tpu.memory_space<vmem>>, vector<1x1x16xf32>,
        %parallel_loop3A_361 = vector.shape_cast %parallel_loop3A_360 : vector<1x1x16xf32> to vector<16xf32>
        %parallel_loop3A_362 = arith.index_cast %rem3A_244 : i32 to index
        %parallel_loop3A_363 = arith.index_cast %parallel_loop3A_283 : i32 to index
        %parallel_loop3A_364 = arith.constant 80 : index
        %parallel_loop3A_365 = tpu.vector_load %arg8[%parallel_loop3A_362, %parallel_loop3A_363, %parallel_loop3A_364] {strides = array<i32>} : memref<7x16x512xf32, #tpu.memory_space<vmem>>, vector<1x1x16xf32>,
        %parallel_loop3A_366 = vector.shape_cast %parallel_loop3A_365 : vector<1x1x16xf32> to vector<16xf32>
        %parallel_loop3A_367 = arith.subf %parallel_loop3A_361, %parallel_loop3A_366 : vector<16xf32>
        %parallel_loop3A_368 = arith.mulf %parallel_loop3A_367, %parallel_loop3A_367 : vector<16xf32>
        %parallel_loop3A_369 = arith.addf %parallel_loop3A_289, %parallel_loop3A_368 : vector<16xf32>
        %parallel_loop3A_370 = arith.index_cast %rem3A_244 : i32 to index
        %parallel_loop3A_371 = arith.index_cast %parallel_loop3A_283 : i32 to index
        %parallel_loop3A_372 = arith.constant 96 : index
        %parallel_loop3A_373 = tpu.vector_load %arg7[%parallel_loop3A_370, %parallel_loop3A_371, %parallel_loop3A_372] {strides = array<i32>} : memref<7x16x512xf32, #tpu.memory_space<vmem>>, vector<1x1x16xf32>,
        %parallel_loop3A_374 = vector.shape_cast %parallel_loop3A_373 : vector<1x1x16xf32> to vector<16xf32>
        %parallel_loop3A_375 = arith.index_cast %rem3A_244 : i32 to index
        %parallel_loop3A_376 = arith.index_cast %parallel_loop3A_283 : i32 to index
        %parallel_loop3A_377 = arith.constant 96 : index
        %parallel_loop3A_378 = tpu.vector_load %arg8[%parallel_loop3A_375, %parallel_loop3A_376, %parallel_loop3A_377] {strides = array<i32>} : memref<7x16x512xf32, #tpu.memory_space<vmem>>, vector<1x1x16xf32>,
        %parallel_loop3A_379 = vector.shape_cast %parallel_loop3A_378 : vector<1x1x16xf32> to vector<16xf32>
        %parallel_loop3A_380 = arith.subf %parallel_loop3A_374, %parallel_loop3A_379 : vector<16xf32>
        %parallel_loop3A_381 = arith.mulf %parallel_loop3A_380, %parallel_loop3A_380 : vector<16xf32>
        %parallel_loop3A_382 = arith.addf %parallel_loop3A_290, %parallel_loop3A_381 : vector<16xf32>
        %parallel_loop3A_383 = arith.index_cast %rem3A_244 : i32 to index
        %parallel_loop3A_384 = arith.index_cast %parallel_loop3A_283 : i32 to index
        %parallel_loop3A_385 = arith.constant 112 : index
        %parallel_loop3A_386 = tpu.vector_load %arg7[%parallel_loop3A_383, %parallel_loop3A_384, %parallel_loop3A_385] {strides = array<i32>} : memref<7x16x512xf32, #tpu.memory_space<vmem>>, vector<1x1x16xf32>,
        %parallel_loop3A_387 = vector.shape_cast %parallel_loop3A_386 : vector<1x1x16xf32> to vector<16xf32>
        %parallel_loop3A_388 = arith.index_cast %rem3A_244 : i32 to index
        %parallel_loop3A_389 = arith.index_cast %parallel_loop3A_283 : i32 to index
        %parallel_loop3A_390 = arith.constant 112 : index
        %parallel_loop3A_391 = tpu.vector_load %arg8[%parallel_loop3A_388, %parallel_loop3A_389, %parallel_loop3A_390] {strides = array<i32>} : memref<7x16x512xf32, #tpu.memory_space<vmem>>, vector<1x1x16xf32>,
        %parallel_loop3A_392 = vector.shape_cast %parallel_loop3A_391 : vector<1x1x16xf32> to vector<16xf32>
        %parallel_loop3A_393 = arith.subf %parallel_loop3A_387, %parallel_loop3A_392 : vector<16xf32>
        %parallel_loop3A_394 = arith.mulf %parallel_loop3A_393, %parallel_loop3A_393 : vector<16xf32>
        %parallel_loop3A_395 = arith.addf %parallel_loop3A_291, %parallel_loop3A_394 : vector<16xf32>
        %parallel_loop3A_396 = arith.index_cast %rem3A_244 : i32 to index
        %parallel_loop3A_397 = arith.index_cast %parallel_loop3A_283 : i32 to index
        %parallel_loop3A_398 = arith.constant 128 : index
        %parallel_loop3A_399 = tpu.vector_load %arg7[%parallel_loop3A_396, %parallel_loop3A_397, %parallel_loop3A_398] {strides = array<i32>} : memref<7x16x512xf32, #tpu.memory_space<vmem>>, vector<1x1x16xf32>,
        %parallel_loop3A_400 = vector.shape_cast %parallel_loop3A_399 : vector<1x1x16xf32> to vector<16xf32>
        %parallel_loop3A_401 = arith.index_cast %rem3A_244 : i32 to index
        %parallel_loop3A_402 = arith.index_cast %parallel_loop3A_283 : i32 to index
        %parallel_loop3A_403 = arith.constant 128 : index
        %parallel_loop3A_404 = tpu.vector_load %arg8[%parallel_loop3A_401, %parallel_loop3A_402, %parallel_loop3A_403] {strides = array<i32>} : memref<7x16x512xf32, #tpu.memory_space<vmem>>, vector<1x1x16xf32>,
        %parallel_loop3A_405 = vector.shape_cast %parallel_loop3A_404 : vector<1x1x16xf32> to vector<16xf32>
        %parallel_loop3A_406 = arith.subf %parallel_loop3A_400, %parallel_loop3A_405 : vector<16xf32>
        %parallel_loop3A_407 = arith.mulf %parallel_loop3A_406, %parallel_loop3A_406 : vector<16xf32>
        %parallel_loop3A_408 = arith.addf %parallel_loop3A_304, %parallel_loop3A_407 : vector<16xf32>
        %parallel_loop3A_409 = arith.index_cast %rem3A_244 : i32 to index
        %parallel_loop3A_410 = arith.index_cast %parallel_loop3A_283 : i32 to index
        %parallel_loop3A_411 = arith.constant 144 : index
        %parallel_loop3A_412 = tpu.vector_load %arg7[%parallel_loop3A_409, %parallel_loop3A_410, %parallel_loop3A_411] {strides = array<i32>} : memref<7x16x512xf32, #tpu.memory_space<vmem>>, vector<1x1x16xf32>,
        %parallel_loop3A_413 = vector.shape_cast %parallel_loop3A_412 : vector<1x1x16xf32> to vector<16xf32>
        %parallel_loop3A_414 = arith.index_cast %rem3A_244 : i32 to index
        %parallel_loop3A_415 = arith.index_cast %parallel_loop3A_283 : i32 to index
        %parallel_loop3A_416 = arith.constant 144 : index
        %parallel_loop3A_417 = tpu.vector_load %arg8[%parallel_loop3A_414, %parallel_loop3A_415, %parallel_loop3A_416] {strides = array<i32>} : memref<7x16x512xf32, #tpu.memory_space<vmem>>, vector<1x1x16xf32>,
        %parallel_loop3A_418 = vector.shape_cast %parallel_loop3A_417 : vector<1x1x16xf32> to vector<16xf32>
        %parallel_loop3A_419 = arith.subf %parallel_loop3A_413, %parallel_loop3A_418 : vector<16xf32>
        %parallel_loop3A_420 = arith.mulf %parallel_loop3A_419, %parallel_loop3A_419 : vector<16xf32>
        %parallel_loop3A_421 = arith.addf %parallel_loop3A_317, %parallel_loop3A_420 : vector<16xf32>
        %parallel_loop3A_422 = arith.index_cast %rem3A_244 : i32 to index
        %parallel_loop3A_423 = arith.index_cast %parallel_loop3A_283 : i32 to index
        %parallel_loop3A_424 = arith.constant 160 : index
        %parallel_loop3A_425 = tpu.vector_load %arg7[%parallel_loop3A_422, %parallel_loop3A_423, %parallel_loop3A_424] {strides = array<i32>} : memref<7x16x512xf32, #tpu.memory_space<vmem>>, vector<1x1x16xf32>,
        %parallel_loop3A_426 = vector.shape_cast %parallel_loop3A_425 : vector<1x1x16xf32> to vector<16xf32>
        %parallel_loop3A_427 = arith.index_cast %rem3A_244 : i32 to index
        %parallel_loop3A_428 = arith.index_cast %parallel_loop3A_283 : i32 to index
        %parallel_loop3A_429 = arith.constant 160 : index
        %parallel_loop3A_430 = tpu.vector_load %arg8[%parallel_loop3A_427, %parallel_loop3A_428, %parallel_loop3A_429] {strides = array<i32>} : memref<7x16x512xf32, #tpu.memory_space<vmem>>, vector<1x1x16xf32>,
        %parallel_loop3A_431 = vector.shape_cast %parallel_loop3A_430 : vector<1x1x16xf32> to vector<16xf32>
        %parallel_loop3A_432 = arith.subf %parallel_loop3A_426, %parallel_loop3A_431 : vector<16xf32>
        %parallel_loop3A_433 = arith.mulf %parallel_loop3A_432, %parallel_loop3A_432 : vector<16xf32>
        %parallel_loop3A_434 = arith.addf %parallel_loop3A_330, %parallel_loop3A_433 : vector<16xf32>
        %parallel_loop3A_435 = arith.index_cast %rem3A_244 : i32 to index
        %parallel_loop3A_436 = arith.index_cast %parallel_loop3A_283 : i32 to index
        %parallel_loop3A_437 = arith.constant 176 : index
        %parallel_loop3A_438 = tpu.vector_load %arg7[%parallel_loop3A_435, %parallel_loop3A_436, %parallel_loop3A_437] {strides = array<i32>} : memref<7x16x512xf32, #tpu.memory_space<vmem>>, vector<1x1x16xf32>,
        %parallel_loop3A_439 = vector.shape_cast %parallel_loop3A_438 : vector<1x1x16xf32> to vector<16xf32>
        %parallel_loop3A_440 = arith.index_cast %rem3A_244 : i32 to index
        %parallel_loop3A_441 = arith.index_cast %parallel_loop3A_283 : i32 to index
        %parallel_loop3A_442 = arith.constant 176 : index
        %parallel_loop3A_443 = tpu.vector_load %arg8[%parallel_loop3A_440, %parallel_loop3A_441, %parallel_loop3A_442] {strides = array<i32>} : memref<7x16x512xf32, #tpu.memory_space<vmem>>, vector<1x1x16xf32>,
        %parallel_loop3A_444 = vector.shape_cast %parallel_loop3A_443 : vector<1x1x16xf32> to vector<16xf32>
        %parallel_loop3A_445 = arith.subf %parallel_loop3A_439, %parallel_loop3A_444 : vector<16xf32>
        %parallel_loop3A_446 = arith.mulf %parallel_loop3A_445, %parallel_loop3A_445 : vector<16xf32>
        %parallel_loop3A_447 = arith.addf %parallel_loop3A_343, %parallel_loop3A_446 : vector<16xf32>
        %parallel_loop3A_448 = arith.index_cast %rem3A_244 : i32 to index
        %parallel_loop3A_449 = arith.index_cast %parallel_loop3A_283 : i32 to index
        %parallel_loop3A_450 = arith.constant 192 : index
        %parallel_loop3A_451 = tpu.vector_load %arg7[%parallel_loop3A_448, %parallel_loop3A_449, %parallel_loop3A_450] {strides = array<i32>} : memref<7x16x512xf32, #tpu.memory_space<vmem>>, vector<1x1x16xf32>,
        %parallel_loop3A_452 = vector.shape_cast %parallel_loop3A_451 : vector<1x1x16xf32> to vector<16xf32>
        %parallel_loop3A_453 = arith.index_cast %rem3A_244 : i32 to index
        %parallel_loop3A_454 = arith.index_cast %parallel_loop3A_283 : i32 to index
        %parallel_loop3A_455 = arith.constant 192 : index
        %parallel_loop3A_456 = tpu.vector_load %arg8[%parallel_loop3A_453, %parallel_loop3A_454, %parallel_loop3A_455] {strides = array<i32>} : memref<7x16x512xf32, #tpu.memory_space<vmem>>, vector<1x1x16xf32>,
        %parallel_loop3A_457 = vector.shape_cast %parallel_loop3A_456 : vector<1x1x16xf32> to vector<16xf32>
        %parallel_loop3A_458 = arith.subf %parallel_loop3A_452, %parallel_loop3A_457 : vector<16xf32>
        %parallel_loop3A_459 = arith.mulf %parallel_loop3A_458, %parallel_loop3A_458 : vector<16xf32>
        %parallel_loop3A_460 = arith.addf %parallel_loop3A_356, %parallel_loop3A_459 : vector<16xf32>
        %parallel_loop3A_461 = arith.index_cast %rem3A_244 : i32 to index
        %parallel_loop3A_462 = arith.index_cast %parallel_loop3A_283 : i32 to index
        %parallel_loop3A_463 = arith.constant 208 : index
        %parallel_loop3A_464 = tpu.vector_load %arg7[%parallel_loop3A_461, %parallel_loop3A_462, %parallel_loop3A_463] {strides = array<i32>} : memref<7x16x512xf32, #tpu.memory_space<vmem>>, vector<1x1x16xf32>,
        %parallel_loop3A_465 = vector.shape_cast %parallel_loop3A_464 : vector<1x1x16xf32> to vector<16xf32>
        %parallel_loop3A_466 = arith.index_cast %rem3A_244 : i32 to index
        %parallel_loop3A_467 = arith.index_cast %parallel_loop3A_283 : i32 to index
        %parallel_loop3A_468 = arith.constant 208 : index
        %parallel_loop3A_469 = tpu.vector_load %arg8[%parallel_loop3A_466, %parallel_loop3A_467, %parallel_loop3A_468] {strides = array<i32>} : memref<7x16x512xf32, #tpu.memory_space<vmem>>, vector<1x1x16xf32>,
        %parallel_loop3A_470 = vector.shape_cast %parallel_loop3A_469 : vector<1x1x16xf32> to vector<16xf32>
        %parallel_loop3A_471 = arith.subf %parallel_loop3A_465, %parallel_loop3A_470 : vector<16xf32>
        %parallel_loop3A_472 = arith.mulf %parallel_loop3A_471, %parallel_loop3A_471 : vector<16xf32>
        %parallel_loop3A_473 = arith.addf %parallel_loop3A_369, %parallel_loop3A_472 : vector<16xf32>
        %parallel_loop3A_474 = arith.index_cast %rem3A_244 : i32 to index
        %parallel_loop3A_475 = arith.index_cast %parallel_loop3A_283 : i32 to index
        %parallel_loop3A_476 = arith.constant 224 : index
        %parallel_loop3A_477 = tpu.vector_load %arg7[%parallel_loop3A_474, %parallel_loop3A_475, %parallel_loop3A_476] {strides = array<i32>} : memref<7x16x512xf32, #tpu.memory_space<vmem>>, vector<1x1x16xf32>,
        %parallel_loop3A_478 = vector.shape_cast %parallel_loop3A_477 : vector<1x1x16xf32> to vector<16xf32>
        %parallel_loop3A_479 = arith.index_cast %rem3A_244 : i32 to index
        %parallel_loop3A_480 = arith.index_cast %parallel_loop3A_283 : i32 to index
        %parallel_loop3A_481 = arith.constant 224 : index
        %parallel_loop3A_482 = tpu.vector_load %arg8[%parallel_loop3A_479, %parallel_loop3A_480, %parallel_loop3A_481] {strides = array<i32>} : memref<7x16x512xf32, #tpu.memory_space<vmem>>, vector<1x1x16xf32>,
        %parallel_loop3A_483 = vector.shape_cast %parallel_loop3A_482 : vector<1x1x16xf32> to vector<16xf32>
        %parallel_loop3A_484 = arith.subf %parallel_loop3A_478, %parallel_loop3A_483 : vector<16xf32>
        %parallel_loop3A_485 = arith.mulf %parallel_loop3A_484, %parallel_loop3A_484 : vector<16xf32>
        %parallel_loop3A_486 = arith.addf %parallel_loop3A_382, %parallel_loop3A_485 : vector<16xf32>
        %parallel_loop3A_487 = arith.index_cast %rem3A_244 : i32 to index
        %parallel_loop3A_488 = arith.index_cast %parallel_loop3A_283 : i32 to index
        %parallel_loop3A_489 = arith.constant 240 : index
        %parallel_loop3A_490 = tpu.vector_load %arg7[%parallel_loop3A_487, %parallel_loop3A_488, %parallel_loop3A_489] {strides = array<i32>} : memref<7x16x512xf32, #tpu.memory_space<vmem>>, vector<1x1x16xf32>,
        %parallel_loop3A_491 = vector.shape_cast %parallel_loop3A_490 : vector<1x1x16xf32> to vector<16xf32>
        %parallel_loop3A_492 = arith.index_cast %rem3A_244 : i32 to index
        %parallel_loop3A_493 = arith.index_cast %parallel_loop3A_283 : i32 to index
        %parallel_loop3A_494 = arith.constant 240 : index
        %parallel_loop3A_495 = tpu.vector_load %arg8[%parallel_loop3A_492, %parallel_loop3A_493, %parallel_loop3A_494] {strides = array<i32>} : memref<7x16x512xf32, #tpu.memory_space<vmem>>, vector<1x1x16xf32>,
        %parallel_loop3A_496 = vector.shape_cast %parallel_loop3A_495 : vector<1x1x16xf32> to vector<16xf32>
        %parallel_loop3A_497 = arith.subf %parallel_loop3A_491, %parallel_loop3A_496 : vector<16xf32>
        %parallel_loop3A_498 = arith.mulf %parallel_loop3A_497, %parallel_loop3A_497 : vector<16xf32>
        %parallel_loop3A_499 = arith.addf %parallel_loop3A_395, %parallel_loop3A_498 : vector<16xf32>
        %parallel_loop3A_500 = arith.index_cast %rem3A_244 : i32 to index
        %parallel_loop3A_501 = arith.index_cast %parallel_loop3A_283 : i32 to index
        %parallel_loop3A_502 = arith.constant 256 : index
        %parallel_loop3A_503 = tpu.vector_load %arg7[%parallel_loop3A_500, %parallel_loop3A_501, %parallel_loop3A_502] {strides = array<i32>} : memref<7x16x512xf32, #tpu.memory_space<vmem>>, vector<1x1x16xf32>,
        %parallel_loop3A_504 = vector.shape_cast %parallel_loop3A_503 : vector<1x1x16xf32> to vector<16xf32>
        %parallel_loop3A_505 = arith.index_cast %rem3A_244 : i32 to index
        %parallel_loop3A_506 = arith.index_cast %parallel_loop3A_283 : i32 to index
        %parallel_loop3A_507 = arith.constant 256 : index
        %parallel_loop3A_508 = tpu.vector_load %arg8[%parallel_loop3A_505, %parallel_loop3A_506, %parallel_loop3A_507] {strides = array<i32>} : memref<7x16x512xf32, #tpu.memory_space<vmem>>, vector<1x1x16xf32>,
        %parallel_loop3A_509 = vector.shape_cast %parallel_loop3A_508 : vector<1x1x16xf32> to vector<16xf32>
        %parallel_loop3A_510 = arith.subf %parallel_loop3A_504, %parallel_loop3A_509 : vector<16xf32>
        %parallel_loop3A_511 = arith.mulf %parallel_loop3A_510, %parallel_loop3A_510 : vector<16xf32>
        %parallel_loop3A_512 = arith.addf %parallel_loop3A_408, %parallel_loop3A_511 : vector<16xf32>
        %parallel_loop3A_513 = arith.index_cast %rem3A_244 : i32 to index
        %parallel_loop3A_514 = arith.index_cast %parallel_loop3A_283 : i32 to index
        %parallel_loop3A_515 = arith.constant 272 : index
        %parallel_loop3A_516 = tpu.vector_load %arg7[%parallel_loop3A_513, %parallel_loop3A_514, %parallel_loop3A_515] {strides = array<i32>} : memref<7x16x512xf32, #tpu.memory_space<vmem>>, vector<1x1x16xf32>,
        %parallel_loop3A_517 = vector.shape_cast %parallel_loop3A_516 : vector<1x1x16xf32> to vector<16xf32>
        %parallel_loop3A_518 = arith.index_cast %rem3A_244 : i32 to index
        %parallel_loop3A_519 = arith.index_cast %parallel_loop3A_283 : i32 to index
        %parallel_loop3A_520 = arith.constant 272 : index
        %parallel_loop3A_521 = tpu.vector_load %arg8[%parallel_loop3A_518, %parallel_loop3A_519, %parallel_loop3A_520] {strides = array<i32>} : memref<7x16x512xf32, #tpu.memory_space<vmem>>, vector<1x1x16xf32>,
        %parallel_loop3A_522 = vector.shape_cast %parallel_loop3A_521 : vector<1x1x16xf32> to vector<16xf32>
        %parallel_loop3A_523 = arith.subf %parallel_loop3A_517, %parallel_loop3A_522 : vector<16xf32>
        %parallel_loop3A_524 = arith.mulf %parallel_loop3A_523, %parallel_loop3A_523 : vector<16xf32>
        %parallel_loop3A_525 = arith.addf %parallel_loop3A_421, %parallel_loop3A_524 : vector<16xf32>
        %parallel_loop3A_526 = arith.index_cast %rem3A_244 : i32 to index
        %parallel_loop3A_527 = arith.index_cast %parallel_loop3A_283 : i32 to index
        %parallel_loop3A_528 = arith.constant 288 : index
        %parallel_loop3A_529 = tpu.vector_load %arg7[%parallel_loop3A_526, %parallel_loop3A_527, %parallel_loop3A_528] {strides = array<i32>} : memref<7x16x512xf32, #tpu.memory_space<vmem>>, vector<1x1x16xf32>,
        %parallel_loop3A_530 = vector.shape_cast %parallel_loop3A_529 : vector<1x1x16xf32> to vector<16xf32>
        %parallel_loop3A_531 = arith.index_cast %rem3A_244 : i32 to index
        %parallel_loop3A_532 = arith.index_cast %parallel_loop3A_283 : i32 to index
        %parallel_loop3A_533 = arith.constant 288 : index
        %parallel_loop3A_534 = tpu.vector_load %arg8[%parallel_loop3A_531, %parallel_loop3A_532, %parallel_loop3A_533] {strides = array<i32>} : memref<7x16x512xf32, #tpu.memory_space<vmem>>, vector<1x1x16xf32>,
        %parallel_loop3A_535 = vector.shape_cast %parallel_loop3A_534 : vector<1x1x16xf32> to vector<16xf32>
        %parallel_loop3A_536 = arith.subf %parallel_loop3A_530, %parallel_loop3A_535 : vector<16xf32>
        %parallel_loop3A_537 = arith.mulf %parallel_loop3A_536, %parallel_loop3A_536 : vector<16xf32>
        %parallel_loop3A_538 = arith.addf %parallel_loop3A_434, %parallel_loop3A_537 : vector<16xf32>
        %parallel_loop3A_539 = arith.index_cast %rem3A_244 : i32 to index
        %parallel_loop3A_540 = arith.index_cast %parallel_loop3A_283 : i32 to index
        %parallel_loop3A_541 = arith.constant 304 : index
        %parallel_loop3A_542 = tpu.vector_load %arg7[%parallel_loop3A_539, %parallel_loop3A_540, %parallel_loop3A_541] {strides = array<i32>} : memref<7x16x512xf32, #tpu.memory_space<vmem>>, vector<1x1x16xf32>,
        %parallel_loop3A_543 = vector.shape_cast %parallel_loop3A_542 : vector<1x1x16xf32> to vector<16xf32>
        %parallel_loop3A_544 = arith.index_cast %rem3A_244 : i32 to index
        %parallel_loop3A_545 = arith.index_cast %parallel_loop3A_283 : i32 to index
        %parallel_loop3A_546 = arith.constant 304 : index
        %parallel_loop3A_547 = tpu.vector_load %arg8[%parallel_loop3A_544, %parallel_loop3A_545, %parallel_loop3A_546] {strides = array<i32>} : memref<7x16x512xf32, #tpu.memory_space<vmem>>, vector<1x1x16xf32>,
        %parallel_loop3A_548 = vector.shape_cast %parallel_loop3A_547 : vector<1x1x16xf32> to vector<16xf32>
        %parallel_loop3A_549 = arith.subf %parallel_loop3A_543, %parallel_loop3A_548 : vector<16xf32>
        %parallel_loop3A_550 = arith.mulf %parallel_loop3A_549, %parallel_loop3A_549 : vector<16xf32>
        %parallel_loop3A_551 = arith.addf %parallel_loop3A_447, %parallel_loop3A_550 : vector<16xf32>
        %parallel_loop3A_552 = arith.index_cast %rem3A_244 : i32 to index
        %parallel_loop3A_553 = arith.index_cast %parallel_loop3A_283 : i32 to index
        %parallel_loop3A_554 = arith.constant 320 : index
        %parallel_loop3A_555 = tpu.vector_load %arg7[%parallel_loop3A_552, %parallel_loop3A_553, %parallel_loop3A_554] {strides = array<i32>} : memref<7x16x512xf32, #tpu.memory_space<vmem>>, vector<1x1x16xf32>,
        %parallel_loop3A_556 = vector.shape_cast %parallel_loop3A_555 : vector<1x1x16xf32> to vector<16xf32>
        %parallel_loop3A_557 = arith.index_cast %rem3A_244 : i32 to index
        %parallel_loop3A_558 = arith.index_cast %parallel_loop3A_283 : i32 to index
        %parallel_loop3A_559 = arith.constant 320 : index
        %parallel_loop3A_560 = tpu.vector_load %arg8[%parallel_loop3A_557, %parallel_loop3A_558, %parallel_loop3A_559] {strides = array<i32>} : memref<7x16x512xf32, #tpu.memory_space<vmem>>, vector<1x1x16xf32>,
        %parallel_loop3A_561 = vector.shape_cast %parallel_loop3A_560 : vector<1x1x16xf32> to vector<16xf32>
        %parallel_loop3A_562 = arith.subf %parallel_loop3A_556, %parallel_loop3A_561 : vector<16xf32>
        %parallel_loop3A_563 = arith.mulf %parallel_loop3A_562, %parallel_loop3A_562 : vector<16xf32>
        %parallel_loop3A_564 = arith.addf %parallel_loop3A_460, %parallel_loop3A_563 : vector<16xf32>
        %parallel_loop3A_565 = arith.index_cast %rem3A_244 : i32 to index
        %parallel_loop3A_566 = arith.index_cast %parallel_loop3A_283 : i32 to index
        %parallel_loop3A_567 = arith.constant 336 : index
        %parallel_loop3A_568 = tpu.vector_load %arg7[%parallel_loop3A_565, %parallel_loop3A_566, %parallel_loop3A_567] {strides = array<i32>} : memref<7x16x512xf32, #tpu.memory_space<vmem>>, vector<1x1x16xf32>,
        %parallel_loop3A_569 = vector.shape_cast %parallel_loop3A_568 : vector<1x1x16xf32> to vector<16xf32>
        %parallel_loop3A_570 = arith.index_cast %rem3A_244 : i32 to index
        %parallel_loop3A_571 = arith.index_cast %parallel_loop3A_283 : i32 to index
        %parallel_loop3A_572 = arith.constant 336 : index
        %parallel_loop3A_573 = tpu.vector_load %arg8[%parallel_loop3A_570, %parallel_loop3A_571, %parallel_loop3A_572] {strides = array<i32>} : memref<7x16x512xf32, #tpu.memory_space<vmem>>, vector<1x1x16xf32>,
        %parallel_loop3A_574 = vector.shape_cast %parallel_loop3A_573 : vector<1x1x16xf32> to vector<16xf32>
        %parallel_loop3A_575 = arith.subf %parallel_loop3A_569, %parallel_loop3A_574 : vector<16xf32>
        %parallel_loop3A_576 = arith.mulf %parallel_loop3A_575, %parallel_loop3A_575 : vector<16xf32>
        %parallel_loop3A_577 = arith.addf %parallel_loop3A_473, %parallel_loop3A_576 : vector<16xf32>
        %parallel_loop3A_578 = arith.index_cast %rem3A_244 : i32 to index
        %parallel_loop3A_579 = arith.index_cast %parallel_loop3A_283 : i32 to index
        %parallel_loop3A_580 = arith.constant 352 : index
        %parallel_loop3A_581 = tpu.vector_load %arg7[%parallel_loop3A_578, %parallel_loop3A_579, %parallel_loop3A_580] {strides = array<i32>} : memref<7x16x512xf32, #tpu.memory_space<vmem>>, vector<1x1x16xf32>,
        %parallel_loop3A_582 = vector.shape_cast %parallel_loop3A_581 : vector<1x1x16xf32> to vector<16xf32>
        %parallel_loop3A_583 = arith.index_cast %rem3A_244 : i32 to index
        %parallel_loop3A_584 = arith.index_cast %parallel_loop3A_283 : i32 to index
        %parallel_loop3A_585 = arith.constant 352 : index
        %parallel_loop3A_586 = tpu.vector_load %arg8[%parallel_loop3A_583, %parallel_loop3A_584, %parallel_loop3A_585] {strides = array<i32>} : memref<7x16x512xf32, #tpu.memory_space<vmem>>, vector<1x1x16xf32>,
        %parallel_loop3A_587 = vector.shape_cast %parallel_loop3A_586 : vector<1x1x16xf32> to vector<16xf32>
        %parallel_loop3A_588 = arith.subf %parallel_loop3A_582, %parallel_loop3A_587 : vector<16xf32>
        %parallel_loop3A_589 = arith.mulf %parallel_loop3A_588, %parallel_loop3A_588 : vector<16xf32>
        %parallel_loop3A_590 = arith.addf %parallel_loop3A_486, %parallel_loop3A_589 : vector<16xf32>
        %parallel_loop3A_591 = arith.index_cast %rem3A_244 : i32 to index
        %parallel_loop3A_592 = arith.index_cast %parallel_loop3A_283 : i32 to index
        %parallel_loop3A_593 = arith.constant 368 : index
        %parallel_loop3A_594 = tpu.vector_load %arg7[%parallel_loop3A_591, %parallel_loop3A_592, %parallel_loop3A_593] {strides = array<i32>} : memref<7x16x512xf32, #tpu.memory_space<vmem>>, vector<1x1x16xf32>,
        %parallel_loop3A_595 = vector.shape_cast %parallel_loop3A_594 : vector<1x1x16xf32> to vector<16xf32>
        %parallel_loop3A_596 = arith.index_cast %rem3A_244 : i32 to index
        %parallel_loop3A_597 = arith.index_cast %parallel_loop3A_283 : i32 to index
        %parallel_loop3A_598 = arith.constant 368 : index
        %parallel_loop3A_599 = tpu.vector_load %arg8[%parallel_loop3A_596, %parallel_loop3A_597, %parallel_loop3A_598] {strides = array<i32>} : memref<7x16x512xf32, #tpu.memory_space<vmem>>, vector<1x1x16xf32>,
        %parallel_loop3A_600 = vector.shape_cast %parallel_loop3A_599 : vector<1x1x16xf32> to vector<16xf32>
        %parallel_loop3A_601 = arith.subf %parallel_loop3A_595, %parallel_loop3A_600 : vector<16xf32>
        %parallel_loop3A_602 = arith.mulf %parallel_loop3A_601, %parallel_loop3A_601 : vector<16xf32>
        %parallel_loop3A_603 = arith.addf %parallel_loop3A_499, %parallel_loop3A_602 : vector<16xf32>
        %parallel_loop3A_604 = arith.index_cast %rem3A_244 : i32 to index
        %parallel_loop3A_605 = arith.index_cast %parallel_loop3A_283 : i32 to index
        %parallel_loop3A_606 = arith.constant 384 : index
        %parallel_loop3A_607 = tpu.vector_load %arg7[%parallel_loop3A_604, %parallel_loop3A_605, %parallel_loop3A_606] {strides = array<i32>} : memref<7x16x512xf32, #tpu.memory_space<vmem>>, vector<1x1x16xf32>,
        %parallel_loop3A_608 = vector.shape_cast %parallel_loop3A_607 : vector<1x1x16xf32> to vector<16xf32>
        %parallel_loop3A_609 = arith.index_cast %rem3A_244 : i32 to index
        %parallel_loop3A_610 = arith.index_cast %parallel_loop3A_283 : i32 to index
        %parallel_loop3A_611 = arith.constant 384 : index
        %parallel_loop3A_612 = tpu.vector_load %arg8[%parallel_loop3A_609, %parallel_loop3A_610, %parallel_loop3A_611] {strides = array<i32>} : memref<7x16x512xf32, #tpu.memory_space<vmem>>, vector<1x1x16xf32>,
        %parallel_loop3A_613 = vector.shape_cast %parallel_loop3A_612 : vector<1x1x16xf32> to vector<16xf32>
        %parallel_loop3A_614 = arith.subf %parallel_loop3A_608, %parallel_loop3A_613 : vector<16xf32>
        %parallel_loop3A_615 = arith.mulf %parallel_loop3A_614, %parallel_loop3A_614 : vector<16xf32>
        %parallel_loop3A_616 = arith.addf %parallel_loop3A_512, %parallel_loop3A_615 : vector<16xf32>
        %parallel_loop3A_617 = arith.index_cast %rem3A_244 : i32 to index
        %parallel_loop3A_618 = arith.index_cast %parallel_loop3A_283 : i32 to index
        %parallel_loop3A_619 = arith.constant 400 : index
        %parallel_loop3A_620 = tpu.vector_load %arg7[%parallel_loop3A_617, %parallel_loop3A_618, %parallel_loop3A_619] {strides = array<i32>} : memref<7x16x512xf32, #tpu.memory_space<vmem>>, vector<1x1x16xf32>,
        %parallel_loop3A_621 = vector.shape_cast %parallel_loop3A_620 : vector<1x1x16xf32> to vector<16xf32>
        %parallel_loop3A_622 = arith.index_cast %rem3A_244 : i32 to index
        %parallel_loop3A_623 = arith.index_cast %parallel_loop3A_283 : i32 to index
        %parallel_loop3A_624 = arith.constant 400 : index
        %parallel_loop3A_625 = tpu.vector_load %arg8[%parallel_loop3A_622, %parallel_loop3A_623, %parallel_loop3A_624] {strides = array<i32>} : memref<7x16x512xf32, #tpu.memory_space<vmem>>, vector<1x1x16xf32>,
        %parallel_loop3A_626 = vector.shape_cast %parallel_loop3A_625 : vector<1x1x16xf32> to vector<16xf32>
        %parallel_loop3A_627 = arith.subf %parallel_loop3A_621, %parallel_loop3A_626 : vector<16xf32>
        %parallel_loop3A_628 = arith.mulf %parallel_loop3A_627, %parallel_loop3A_627 : vector<16xf32>
        %parallel_loop3A_629 = arith.addf %parallel_loop3A_525, %parallel_loop3A_628 : vector<16xf32>
        %parallel_loop3A_630 = arith.index_cast %rem3A_244 : i32 to index
        %parallel_loop3A_631 = arith.index_cast %parallel_loop3A_283 : i32 to index
        %parallel_loop3A_632 = arith.constant 416 : index
        %parallel_loop3A_633 = tpu.vector_load %arg7[%parallel_loop3A_630, %parallel_loop3A_631, %parallel_loop3A_632] {strides = array<i32>} : memref<7x16x512xf32, #tpu.memory_space<vmem>>, vector<1x1x16xf32>,
        %parallel_loop3A_634 = vector.shape_cast %parallel_loop3A_633 : vector<1x1x16xf32> to vector<16xf32>
        %parallel_loop3A_635 = arith.index_cast %rem3A_244 : i32 to index
        %parallel_loop3A_636 = arith.index_cast %parallel_loop3A_283 : i32 to index
        %parallel_loop3A_637 = arith.constant 416 : index
        %parallel_loop3A_638 = tpu.vector_load %arg8[%parallel_loop3A_635, %parallel_loop3A_636, %parallel_loop3A_637] {strides = array<i32>} : memref<7x16x512xf32, #tpu.memory_space<vmem>>, vector<1x1x16xf32>,
        %parallel_loop3A_639 = vector.shape_cast %parallel_loop3A_638 : vector<1x1x16xf32> to vector<16xf32>
        %parallel_loop3A_640 = arith.subf %parallel_loop3A_634, %parallel_loop3A_639 : vector<16xf32>
        %parallel_loop3A_641 = arith.mulf %parallel_loop3A_640, %parallel_loop3A_640 : vector<16xf32>
        %parallel_loop3A_642 = arith.addf %parallel_loop3A_538, %parallel_loop3A_641 : vector<16xf32>
        %parallel_loop3A_643 = arith.index_cast %rem3A_244 : i32 to index
        %parallel_loop3A_644 = arith.index_cast %parallel_loop3A_283 : i32 to index
        %parallel_loop3A_645 = arith.constant 432 : index
        %parallel_loop3A_646 = tpu.vector_load %arg7[%parallel_loop3A_643, %parallel_loop3A_644, %parallel_loop3A_645] {strides = array<i32>} : memref<7x16x512xf32, #tpu.memory_space<vmem>>, vector<1x1x16xf32>,
        %parallel_loop3A_647 = vector.shape_cast %parallel_loop3A_646 : vector<1x1x16xf32> to vector<16xf32>
        %parallel_loop3A_648 = arith.index_cast %rem3A_244 : i32 to index
        %parallel_loop3A_649 = arith.index_cast %parallel_loop3A_283 : i32 to index
        %parallel_loop3A_650 = arith.constant 432 : index
        %parallel_loop3A_651 = tpu.vector_load %arg8[%parallel_loop3A_648, %parallel_loop3A_649, %parallel_loop3A_650] {strides = array<i32>} : memref<7x16x512xf32, #tpu.memory_space<vmem>>, vector<1x1x16xf32>,
        %parallel_loop3A_652 = vector.shape_cast %parallel_loop3A_651 : vector<1x1x16xf32> to vector<16xf32>
        %parallel_loop3A_653 = arith.subf %parallel_loop3A_647, %parallel_loop3A_652 : vector<16xf32>
        %parallel_loop3A_654 = arith.mulf %parallel_loop3A_653, %parallel_loop3A_653 : vector<16xf32>
        %parallel_loop3A_655 = arith.addf %parallel_loop3A_551, %parallel_loop3A_654 : vector<16xf32>
        %parallel_loop3A_656 = arith.index_cast %rem3A_244 : i32 to index
        %parallel_loop3A_657 = arith.index_cast %parallel_loop3A_283 : i32 to index
        %parallel_loop3A_658 = arith.constant 448 : index
        %parallel_loop3A_659 = tpu.vector_load %arg7[%parallel_loop3A_656, %parallel_loop3A_657, %parallel_loop3A_658] {strides = array<i32>} : memref<7x16x512xf32, #tpu.memory_space<vmem>>, vector<1x1x16xf32>,
        %parallel_loop3A_660 = vector.shape_cast %parallel_loop3A_659 : vector<1x1x16xf32> to vector<16xf32>
        %parallel_loop3A_661 = arith.index_cast %rem3A_244 : i32 to index
        %parallel_loop3A_662 = arith.index_cast %parallel_loop3A_283 : i32 to index
        %parallel_loop3A_663 = arith.constant 448 : index
        %parallel_loop3A_664 = tpu.vector_load %arg8[%parallel_loop3A_661, %parallel_loop3A_662, %parallel_loop3A_663] {strides = array<i32>} : memref<7x16x512xf32, #tpu.memory_space<vmem>>, vector<1x1x16xf32>,
        %parallel_loop3A_665 = vector.shape_cast %parallel_loop3A_664 : vector<1x1x16xf32> to vector<16xf32>
        %parallel_loop3A_666 = arith.subf %parallel_loop3A_660, %parallel_loop3A_665 : vector<16xf32>
        %parallel_loop3A_667 = arith.mulf %parallel_loop3A_666, %parallel_loop3A_666 : vector<16xf32>
        %parallel_loop3A_668 = arith.addf %parallel_loop3A_564, %parallel_loop3A_667 : vector<16xf32>
        %parallel_loop3A_669 = arith.index_cast %rem3A_244 : i32 to index
        %parallel_loop3A_670 = arith.index_cast %parallel_loop3A_283 : i32 to index
        %parallel_loop3A_671 = arith.constant 464 : index
        %parallel_loop3A_672 = tpu.vector_load %arg7[%parallel_loop3A_669, %parallel_loop3A_670, %parallel_loop3A_671] {strides = array<i32>} : memref<7x16x512xf32, #tpu.memory_space<vmem>>, vector<1x1x16xf32>,
        %parallel_loop3A_673 = vector.shape_cast %parallel_loop3A_672 : vector<1x1x16xf32> to vector<16xf32>
        %parallel_loop3A_674 = arith.index_cast %rem3A_244 : i32 to index
        %parallel_loop3A_675 = arith.index_cast %parallel_loop3A_283 : i32 to index
        %parallel_loop3A_676 = arith.constant 464 : index
        %parallel_loop3A_677 = tpu.vector_load %arg8[%parallel_loop3A_674, %parallel_loop3A_675, %parallel_loop3A_676] {strides = array<i32>} : memref<7x16x512xf32, #tpu.memory_space<vmem>>, vector<1x1x16xf32>,
        %parallel_loop3A_678 = vector.shape_cast %parallel_loop3A_677 : vector<1x1x16xf32> to vector<16xf32>
        %parallel_loop3A_679 = arith.subf %parallel_loop3A_673, %parallel_loop3A_678 : vector<16xf32>
        %parallel_loop3A_680 = arith.mulf %parallel_loop3A_679, %parallel_loop3A_679 : vector<16xf32>
        %parallel_loop3A_681 = arith.addf %parallel_loop3A_577, %parallel_loop3A_680 : vector<16xf32>
        %parallel_loop3A_682 = arith.index_cast %rem3A_244 : i32 to index
        %parallel_loop3A_683 = arith.index_cast %parallel_loop3A_283 : i32 to index
        %parallel_loop3A_684 = arith.constant 480 : index
        %parallel_loop3A_685 = tpu.vector_load %arg7[%parallel_loop3A_682, %parallel_loop3A_683, %parallel_loop3A_684] {strides = array<i32>} : memref<7x16x512xf32, #tpu.memory_space<vmem>>, vector<1x1x16xf32>,
        %parallel_loop3A_686 = vector.shape_cast %parallel_loop3A_685 : vector<1x1x16xf32> to vector<16xf32>
        %parallel_loop3A_687 = arith.index_cast %rem3A_244 : i32 to index
        %parallel_loop3A_688 = arith.index_cast %parallel_loop3A_283 : i32 to index
        %parallel_loop3A_689 = arith.constant 480 : index
        %parallel_loop3A_690 = tpu.vector_load %arg8[%parallel_loop3A_687, %parallel_loop3A_688, %parallel_loop3A_689] {strides = array<i32>} : memref<7x16x512xf32, #tpu.memory_space<vmem>>, vector<1x1x16xf32>,
        %parallel_loop3A_691 = vector.shape_cast %parallel_loop3A_690 : vector<1x1x16xf32> to vector<16xf32>
        %parallel_loop3A_692 = arith.subf %parallel_loop3A_686, %parallel_loop3A_691 : vector<16xf32>
        %parallel_loop3A_693 = arith.mulf %parallel_loop3A_692, %parallel_loop3A_692 : vector<16xf32>
        %parallel_loop3A_694 = arith.addf %parallel_loop3A_590, %parallel_loop3A_693 : vector<16xf32>
        %parallel_loop3A_695 = arith.index_cast %rem3A_244 : i32 to index
        %parallel_loop3A_696 = arith.index_cast %parallel_loop3A_283 : i32 to index
        %parallel_loop3A_697 = arith.constant 496 : index
        %parallel_loop3A_698 = tpu.vector_load %arg7[%parallel_loop3A_695, %parallel_loop3A_696, %parallel_loop3A_697] {strides = array<i32>} : memref<7x16x512xf32, #tpu.memory_space<vmem>>, vector<1x1x16xf32>,
        %parallel_loop3A_699 = vector.shape_cast %parallel_loop3A_698 : vector<1x1x16xf32> to vector<16xf32>
        %parallel_loop3A_700 = arith.index_cast %rem3A_244 : i32 to index
        %parallel_loop3A_701 = arith.index_cast %parallel_loop3A_283 : i32 to index
        %parallel_loop3A_702 = arith.constant 496 : index
        %parallel_loop3A_703 = tpu.vector_load %arg8[%parallel_loop3A_700, %parallel_loop3A_701, %parallel_loop3A_702] {strides = array<i32>} : memref<7x16x512xf32, #tpu.memory_space<vmem>>, vector<1x1x16xf32>,
        %parallel_loop3A_704 = vector.shape_cast %parallel_loop3A_703 : vector<1x1x16xf32> to vector<16xf32>
        %parallel_loop3A_705 = arith.subf %parallel_loop3A_699, %parallel_loop3A_704 : vector<16xf32>
        %parallel_loop3A_706 = arith.mulf %parallel_loop3A_705, %parallel_loop3A_705 : vector<16xf32>
        %parallel_loop3A_707 = arith.addf %parallel_loop3A_603, %parallel_loop3A_706 : vector<16xf32>
        scf.yield %parallel_loop3A_616, %parallel_loop3A_629, %parallel_loop3A_642, %parallel_loop3A_655, %parallel_loop3A_668, %parallel_loop3A_681, %parallel_loop3A_694, %parallel_loop3A_707 : vector<16xf32>, vector<16xf32>, vector<16xf32>, vector<16xf32>, vector<16xf32>, vector<16xf32>, vector<16xf32>, vector<16xf32>
      } {sc.loop_unroll_factor = 2 : i64, sc.parallel_access}
      %add3A_279 = arith.constant 7 : i32
      %add3A_280 = arith.addi %scan3A_235, %add3A_279 : i32
      %lt3A = arith.constant 32 : i32
      %lt3A_281 = arith.cmpi slt, %add3A_280, %lt3A : i32
      %convert_element_type3A = arith.extui %lt3A_281 : i1 to i32
      %cond3A = arith.constant 0 : i32
      %cond3A_282 = arith.cmpi ne, %convert_element_type3A, %cond3A : i32
      scf.if %cond3A_282 {
        %mul3A_283 = arith.constant 16 : i32
        %mul3A_284 = arith.muli %add3A_280, %mul3A_283 : i32
        %add3A_285 = arith.addi %mul3A_2, %mul3A_284 : i32
        %mul3A_286 = arith.constant 16 : i32
        %mul3A_287 = arith.muli %add3A_280, %mul3A_286 : i32
        %dma_start3A_288 = arith.constant 0 : i32
        %dma_start3A_289 = arith.constant 0 : i32
        %dma_start3A_290 = tpu.memref_slice %arg8[%rem3A_244, %dma_start3A_288, %dma_start3A_289] : memref<7x16x512xf32, #tpu.memory_space<vmem>> -> memref<1x16x512xf32, #tpu.memory_space<vmem>>
        %dma_start3A_291 = tpu.memref_squeeze %dma_start3A_290 : memref<1x16x512xf32, #tpu.memory_space<vmem>> -> memref<16x512xf32, #tpu.memory_space<vmem>>
        %dma_start3A_292 = tpu.memref_slice %arg6[%mul3A_287] : memref<512xi32, #tpu.memory_space<vmem>> -> memref<16xi32, #tpu.memory_space<vmem>>
        %dma_start3A_293 = arith.constant 0 : i32
        %dma_start3A_294 = arith.constant 0 : i32
        %dma_start3A_295 = tpu.memref_slice %arg4[%dma_start3A_293, %dma_start3A_294] : memref<10000x512xf32, #tpu.memory_space<hbm>> -> memref<10000x512xf32, #tpu.memory_space<hbm>>
        %dma_start3A_296 = tpu.memref_slice %arg10[%rem3A_244] : memref<7x!tpu.dma_semaphore, #tpu.memory_space<semaphore_mem>> -> memref<1x!tpu.dma_semaphore, #tpu.memory_space<semaphore_mem>>
        %dma_start3A_297 = tpu.memref_squeeze %dma_start3A_296 : memref<1x!tpu.dma_semaphore, #tpu.memory_space<semaphore_mem>> -> memref<!tpu.dma_semaphore, #tpu.memory_space<semaphore_mem>>
        tpu.enqueue_indirect_dma source(%dma_start3A_295 : memref<10000x512xf32, #tpu.memory_space<hbm>>) target(%dma_start3A_291 : memref<16x512xf32, #tpu.memory_space<vmem>>) offsets(%dma_start3A_292 : memref<16xi32, #tpu.memory_space<vmem>>) semaphore(%dma_start3A_297 : memref<!tpu.dma_semaphore, #tpu.memory_space<semaphore_mem>>)
        %dma_start3A_298 = arith.constant 0 : i32
        %dma_start3A_299 = arith.constant 0 : i32
        %dma_start3A_300 = tpu.memref_slice %arg7[%rem3A_244, %dma_start3A_298, %dma_start3A_299] : memref<7x16x512xf32, #tpu.memory_space<vmem>> -> memref<1x16x512xf32, #tpu.memory_space<vmem>>
        %dma_start3A_301 = tpu.memref_squeeze %dma_start3A_300 : memref<1x16x512xf32, #tpu.memory_space<vmem>> -> memref<16x512xf32, #tpu.memory_space<vmem>>
        %dma_start3A_302 = arith.constant 0 : i32
        %dma_start3A_303 = tpu.memref_slice %arg2[%add3A_285, %dma_start3A_302] : memref<16384x512xf32, #tpu.memory_space<hbm>> -> memref<16x512xf32, #tpu.memory_space<hbm>>
        %dma_start3A_304 = tpu.memref_slice %arg10[%rem3A_244] : memref<7x!tpu.dma_semaphore, #tpu.memory_space<semaphore_mem>> -> memref<1x!tpu.dma_semaphore, #tpu.memory_space<semaphore_mem>>
        %dma_start3A_305 = tpu.memref_squeeze %dma_start3A_304 : memref<1x!tpu.dma_semaphore, #tpu.memory_space<semaphore_mem>> -> memref<!tpu.dma_semaphore, #tpu.memory_space<semaphore_mem>>
        %dma_start3A_306 = arith.constant 0 : i32
        %dma_start3A_307 = arith.constant 0 : i32
        %dma_start3A_308 = tpu.memref_slice %arg7[%rem3A_244, %dma_start3A_306, %dma_start3A_307] : memref<7x16x512xf32, #tpu.memory_space<vmem>> -> memref<1x16x512xf32, #tpu.memory_space<vmem>>
        %dma_start3A_309 = tpu.memref_squeeze %dma_start3A_308 : memref<1x16x512xf32, #tpu.memory_space<vmem>> -> memref<16x512xf32, #tpu.memory_space<vmem>>
        %dma_start3A_310 = arith.constant 0 : i32
        %dma_start3A_311 = tpu.memref_slice %arg2[%add3A_285, %dma_start3A_310] : memref<16384x512xf32, #tpu.memory_space<hbm>> -> memref<16x512xf32, #tpu.memory_space<hbm>>
        tpu.enqueue_dma source(%dma_start3A_311 : memref<16x512xf32, #tpu.memory_space<hbm>>) target(%dma_start3A_309 : memref<16x512xf32, #tpu.memory_space<vmem>>) target_semaphore(%dma_start3A_305 : memref<!tpu.dma_semaphore, #tpu.memory_space<semaphore_mem>>)
      } else {
      }
      scf.yield %parallel_loop3A_278#0, %parallel_loop3A_278#1, %parallel_loop3A_278#2, %parallel_loop3A_278#3, %parallel_loop3A_278#4, %parallel_loop3A_278#5, %parallel_loop3A_278#6, %parallel_loop3A_278#7 : vector<16xf32>, vector<16xf32>, vector<16xf32>, vector<16xf32>, vector<16xf32>, vector<16xf32>, vector<16xf32>, vector<16xf32>
    }
    %scan3A_224 = arith.constant 32 : i32
    %add3A_225 = arith.addf %scan3A_223#0, %scan3A_223#1 : vector<16xf32>
    %add3A_226 = arith.addf %add3A_225, %scan3A_223#2 : vector<16xf32>
    %add3A_227 = arith.addf %add3A_226, %scan3A_223#3 : vector<16xf32>
    %add3A_228 = arith.addf %add3A_227, %scan3A_223#4 : vector<16xf32>
    %add3A_229 = arith.addf %add3A_228, %scan3A_223#5 : vector<16xf32>
    %add3A_230 = arith.addf %add3A_229, %scan3A_223#6 : vector<16xf32>
    %add3A_231 = arith.addf %add3A_230, %scan3A_223#7 : vector<16xf32>
    %swap3A = arith.constant 0 : index
    %swap3A_232 = tpu.vector_load %arg9[%swap3A] {strides = array<i32>} : memref<16xf32, #tpu.memory_space<vmem>>, vector<16xf32>,
    %swap3A_233 = vector.shape_cast %swap3A_232 : vector<16xf32> to vector<16xf32>
    %swap3A_234 = vector.shape_cast %add3A_231 : vector<16xf32> to vector<16xf32>
    tpu.vector_store %arg9[%swap3A], %swap3A_234 {strides = array<i32>} : memref<16xf32, #tpu.memory_space<vmem>>, vector<16xf32>,
    "tpu.region"() ({
      %run_scoped3A = tpu.sem_alloc : memref<!tpu.dma_semaphore, #tpu.memory_space<semaphore_mem>>
      %dma_start3A_235 = arith.constant 0 : i32
      %dma_start3A_236 = tpu.memref_slice %arg5[%add3A, %dma_start3A_235] : memref<32x16xf32, #tpu.memory_space<hbm>> -> memref<1x16xf32, #tpu.memory_space<hbm>>
      %dma_start3A_237 = tpu.memref_squeeze %dma_start3A_236 : memref<1x16xf32, #tpu.memory_space<hbm>> -> memref<16xf32, #tpu.memory_space<hbm>>
      %dma_start3A_238 = arith.constant 0 : i32
      %dma_start3A_239 = tpu.memref_slice %arg5[%add3A, %dma_start3A_238] : memref<32x16xf32, #tpu.memory_space<hbm>> -> memref<1x16xf32, #tpu.memory_space<hbm>>
      %dma_start3A_240 = tpu.memref_squeeze %dma_start3A_239 : memref<1x16xf32, #tpu.memory_space<hbm>> -> memref<16xf32, #tpu.memory_space<hbm>>
      tpu.enqueue_dma source(%arg9 : memref<16xf32, #tpu.memory_space<vmem>>) target(%dma_start3A_240 : memref<16xf32, #tpu.memory_space<hbm>>) target_semaphore(%run_scoped3A : memref<!tpu.dma_semaphore, #tpu.memory_space<semaphore_mem>>)
      %dma_wait3A = arith.constant 0 : i32
      %dma_wait3A_241 = tpu.memref_slice %arg5[%add3A, %dma_wait3A] : memref<32x16xf32, #tpu.memory_space<hbm>> -> memref<1x16xf32, #tpu.memory_space<hbm>>
      %dma_wait3A_242 = tpu.memref_squeeze %dma_wait3A_241 : memref<1x16xf32, #tpu.memory_space<hbm>> -> memref<16xf32, #tpu.memory_space<hbm>>
      %dma_wait3A_243 = arith.constant 0 : i32
      %dma_wait3A_244 = tpu.memref_slice %arg5[%add3A, %dma_wait3A_243] : memref<32x16xf32, #tpu.memory_space<hbm>> -> memref<1x16xf32, #tpu.memory_space<hbm>>
      %dma_wait3A_245 = tpu.memref_squeeze %dma_wait3A_244 : memref<1x16xf32, #tpu.memory_space<hbm>> -> memref<16xf32, #tpu.memory_space<hbm>>
      tpu.wait_dma2 semaphore(%run_scoped3A : memref<!tpu.dma_semaphore, #tpu.memory_space<semaphore_mem>>) src(%arg9 : memref<16xf32, #tpu.memory_space<vmem>>) dst(%dma_wait3A_245 : memref<16xf32, #tpu.memory_space<hbm>>)
      tpu.yield
    }) : () -> ()
    return
  }
}

</mosaic_0001>

<sc_bundles>
// kernel: kernel.3.cloned.1.call-start
scs
__scs_entry_jumppad:
0x0: {  	(pc) =	sbr.rel $0x88, $3  }
0x1: {  	(tag) =	ssettag $0x0;
	lr =	simm.s32 $0x1  }
0x2: {  	[smem:$0x3F9E] =	sst lr;
	_ =	strace $0xD0000000  }
0x3: {  	_ = 	snop  }
0x4: {  	_ = 	snop  }
0x5: {  	_ = 	snop  }
0x6: {  	_ = 	snop  }
0x7: {  	_ = 	snop  }
__scs_overlays_trampoline_lowered:
0x8: {  	[smem:$0x3FAD] =	sst s0  }
0x9: {  	[smem:$0x3FAE] =	sst s1  }
0xa: {  	[smem:$0x3FAF] =	sst s2  }
0xb: {  	[smem:$0x3FB0] =	sst s3  }
0xc: {  	[smem:$0x3FB1] =	sst s4  }
0xd: {  	[smem:$0x3FB2] =	sst s5  }
0xe: {  	[smem:$0x3FB3] =	sst s6  }
0xf: {  	[smem:$0x3FB4] =	sst s7  }
0x10: {  	[smem:$0x3FB5] =	sst s8  }
0x11: {  	[smem:$0x3FB6] =	sst s9;
	s0 =	simm.s32 @!p0 $0x0  }
0x12: {  	s1 =	sld [smem:$0x3F9C];
	s0 =	simm.s32 @p0 $0x1  }
0x13: {  	[smem:$0x3FB7] =	sst s0;
	s0 =	simm.s32 @!p1 $0x0  }
0x14: {  	s2 =	sld [smem:$0x3F9B];
	s0 =	simm.s32 @p1 $0x1  }
0x15: {  	[smem:$0x3FB8] =	sst s0;
	s0 =	simm.s32 @!p2 $0x0  }
0x16: {  	s3 =	sld [smem:$0x3FDB];
	s0 =	simm.s32 @p2 $0x1  }
0x17: {  	s4 =	simm.s32 $0x1BF5;
	[smem:$0x3FBA] =	sst s0  }
0x18: {  	s0 =	sld [smem:$0x3F9D];
	_ =	swait.ge [sflag:s4], $0x0  }
0x19: {  	s7 =	sld [smem:$0x3F9E]  }
0x1a: {  	s8 =	sadd.s32 $0xFFFFE003, lr  }
0x1b: {  	s9 =	sadd.s32 $0xFFFFFEF7, lr;
	s5 =	simm.s32 $0xFFFFFFFF;
	p2 =	slt.u32 s8, $0xFFFFF086  }
0x1c: {  	p1 =	slt.u32 s9, $0xF7A;
	s5 =	simm.s32 @!p2 $0x0  }
0x1d: {  	s5 =	simm.s32 @p1 $0x1;
	p0 =	seq.s32 s7, s2  }
0x1e: {  	s7 =	smul.u32 @!p0 $0xF7A, s2;
	p2 =	seq.s32 @!p0 s5, $0x0  }
0x1f: {  	s9 =	smul.u32 $0xF7A, s1;
	s8 =	simm.s32 @!p0 $0x1BF5;
	p2 =	por !p2, p0  }
0x20: {  	[sflag:s8] =	ssyncset.s32 @!p0 $0xFFFFF086;
	s6 =	sadd.s32 @!p0 s3, s7;
	s7 =	simm.s32 @!p0 $0x108  }
0x21: {  	s3 =	sadd.s32 s3, s9;
	s6 =	sadd.s32 @!p0 $0x88, s6;
	s7 =	simm.s32 @p2 $0x1082  }
0x22: {  	[simem:s7], [sflag:s8] =	dma.local @!p0 [hbm:s6], $0xF7A  }
0x23: {  	s9 =	sor.u32 $0xD0000000, s2;
	s6 =	simm.s32 $0x108;
	_ =	swait.ge @!p0 [sflag:s8], $0x0  }
0x24: {  	s3 =	sadd.s32 $0x88, s3;
	s6 =	simm.s32 @!p1 $0x1082;
	[sflag:s4] =	ssyncset.s32 $0xFFFFF086  }
0x25: {  	[simem:s6], [sflag:s4] =	dma.local [hbm:s3], $0xF7A  }
0x26: {  	[smem:$0x3F9E] =	sst s1;
	(tag) =	ssettag s2;
	_ =	strace s9  }
0x27: {  	s1 =	sld [smem:$0x3FAE]  }
0x28: {  	s2 =	sld [smem:$0x3FAF]  }
0x29: {  	s4 =	sld [smem:$0x3FB1]  }
0x2a: {  	p0 =	seq.s32 s5, $0x0;
	s5 =	sld [smem:$0x3FB2]  }
0x2b: {  	s6 =	sld [smem:$0x3FB3]  }
0x2c: {  	s7 =	sld [smem:$0x3FB4]  }
0x2d: {  	s3 =	simm.s32 $0x108;
	s8 =	sld [smem:$0x3FB5]  }
0x2e: {  	s3 =	simm.s32 @!p0 $0x1082;
	s9 =	sld [smem:$0x3FB6]  }
0x2f: {  	lr =	sadd.s32 s0, s3;
	s0 =	sld [smem:$0x3FAD]  }
0x30: {  	s3 =	sld [smem:$0x3FB0]  }
0x31: {  	[smem:$0x3FB9] =	sst s10  }
0x32: {  	s10 =	sld [smem:$0x3FB7];
	_ =	sdelay $0x3  }
0x33: {  	p0 =	seq.s32 s10, $0x1;
	s10 =	sld [smem:$0x3FB9];
	_ =	sdelay $0x3  }
0x34: {  	[smem:$0x3FB9] =	sst s10  }
0x35: {  	s10 =	sld [smem:$0x3FB8];
	_ =	sdelay $0x3  }
0x36: {  	p1 =	seq.s32 s10, $0x1;
	s10 =	sld [smem:$0x3FB9];
	_ =	sdelay $0x3  }
0x37: {  	[smem:$0x3FB9] =	sst s10  }
0x38: {  	s10 =	sld [smem:$0x3FBA]  }
0x39: {  	_ = 	snop;
	(pc) =	sbr.ind lr, $3  }
0x3a: {  	_ = 	snop  }
0x3b: {  	_ = 	snop  }
0x3c: {  	p2 =	seq.s32 s10, $0x1;
	s10 =	sld [smem:$0x3FB9]  }
0x3d: {  	_ =	shalt  }
0x3e: {  	_ =	shalt  }
0x3f: {  	_ =	shalt  }
0x40: {  	_ =	shalt  }
0x41: {  	_ =	shalt  }
0x42: {  	_ =	shalt  }
0x43: {  	_ =	shalt  }
0x44: {  	_ =	shalt  }
0x45: {  	_ =	shalt  }
0x46: {  	_ =	shalt  }
0x47: {  	_ =	shalt  }
0x48: {  	_ =	shalt  }
0x49: {  	_ =	shalt  }
0x4a: {  	_ =	shalt  }
0x4b: {  	_ =	shalt  }
0x4c: {  	_ =	shalt  }
0x4d: {  	_ =	shalt  }
0x4e: {  	_ =	shalt  }
0x4f: {  	_ =	shalt  }
0x50: {  	_ =	shalt  }
0x51: {  	_ =	shalt  }
0x52: {  	_ =	shalt  }
0x53: {  	_ =	shalt  }
0x54: {  	_ =	shalt  }
0x55: {  	_ =	shalt  }
0x56: {  	_ =	shalt  }
0x57: {  	_ =	shalt  }
0x58: {  	_ =	shalt  }
0x59: {  	_ =	shalt  }
0x5a: {  	_ =	shalt  }
0x5b: {  	_ =	shalt  }
0x5c: {  	_ =	shalt  }
0x5d: {  	_ =	shalt  }
0x5e: {  	_ =	shalt  }
0x5f: {  	_ =	shalt  }
0x60: {  	_ =	shalt  }
0x61: {  	_ =	shalt  }
0x62: {  	_ =	shalt  }
0x63: {  	_ =	shalt  }
0x64: {  	_ =	shalt  }
0x65: {  	_ =	shalt  }
0x66: {  	_ =	shalt  }
0x67: {  	_ =	shalt  }
0x68: {  	_ =	shalt  }
0x69: {  	_ =	shalt  }
0x6a: {  	_ =	shalt  }
0x6b: {  	_ =	shalt  }
0x6c: {  	_ =	shalt  }
0x6d: {  	_ =	shalt  }
0x6e: {  	_ =	shalt  }
0x6f: {  	_ =	shalt  }
0x70: {  	_ =	shalt  }
0x71: {  	_ =	shalt  }
0x72: {  	_ =	shalt  }
0x73: {  	_ =	shalt  }
0x74: {  	_ =	shalt  }
0x75: {  	_ =	shalt  }
0x76: {  	_ =	shalt  }
0x77: {  	_ =	shalt  }
0x78: {  	_ =	shalt  }
0x79: {  	_ =	shalt  }
0x7a: {  	_ =	shalt  }
0x7b: {  	_ =	shalt  }
0x7c: {  	_ =	shalt  }
0x7d: {  	_ =	shalt  }
0x7e: {  	_ =	shalt  }
0x7f: {  	_ =	shalt  }
0x80: {  	_ =	shalt  }
0x81: {  	_ =	shalt  }
0x82: {  	_ =	shalt  }
0x83: {  	_ =	shalt  }
0x84: {  	_ =	shalt  }
0x85: {  	_ =	shalt  }
0x86: {  	_ =	shalt  }
0x87: {  	_ =	shalt  }
.Lfunc_end0:
.L_simem_size_0:
called_computation_lowered:
.L_overlay_start_0:
0x88: {  	s2 =	sld [smem:$0x3FD9]  }
0x89: {  	s3 =	sld [smem:$0x3FFE];
	_ =	sdelay $0x1  }
0x8a: {  	s1 =	srdreg.scid  }
0x8b: {  	s0 =	sand.u32 $0x1, s1  }
0x8c: {  	s17 =	sshll.u32 s0, $0xA;
	s2 =	sadd.s32 s3, s2  }
0x8d: {  	s2 =	sadd.s32 s2, s17  }
0x8e: {  	[smem:$0x3FC5] =	sst s2  }
0x8f: {  	_ = 	snop  }
0x90: {  	s2 =	sld [smem:$0x3FC9]  }
0x91: {  	s18 =	sld [smem:$0x3FC8]  }
0x92: {  	s4 =	sld [smem:$0x3FC7];
	(tm) =	ssettm $0x1  }
0x93: {  	s5 =	sld [smem:$0x3FFB];
	_ =	sdelay $0x3  }
0x94: {  	_ =	strace s5  }
0x95: {  	s5 =	sld [smem:$0x3FFC];
	_ =	sdelay $0x3  }
0x96: {  	_ =	strace s5  }
0x97: {  	s5 =	sld [smem:$0x3FFD];
	_ =	sdelay $0x3  }
0x98: {  	_ =	strace s5  }
0x99: {  	_ =	strace $0x8FFFFFFF  }
0x9a: {  	s19 =	sld [smem:$0x3FDB];
	_ =	sdelay $0x1  }
0x9b: {  	s6 =	simm.s32 $_scs_section_size  }
0x9c: {  	s7 =	simm.s32 $_size__tile_overlayer_lowered;
	s8 =	simm.s32 $_tile_overlayer_lowered  }
0x9d: {  	s22 =	simm.s32 $0x1BFF;
	s21 =	sshll.u32 s8, $0x1;
	s5 =	sadd.s32 s6, s19  }
0x9e: {  	s9 =	simm.s32 $0x0;
	s20 =	sshll.u32 s7, $0x1;
	s7 =	sadd.s32 s21, s5  }
0x9f: {  	[timem:s9], [sflag:s22] =	dma.local [hbm:s7], s20  }
0xa0: {  	_ =	swait.ge [sflag:s22], s20  }
0xa1: {  	s6 =	ssub.s32 $0x0, s20;
	[sflag:s22] =	ssyncset.done $0x0  }
0xa2: {  	[sflag:s22] =	ssyncadd.s32 s6;
	_ =	sdelay $0x1  }
0xa3: {  	s23 =	simm.s32 $0x1B8B  }
0xa4: {  	_ =	swait.ge [sflag:s23], $0x1  }
0xa5: {  	[sflag:s23] =	ssyncset.done $0x0  }
0xa6: {  	s25 =	simm.s32 $0x1B8E;
	s24 =	sld [smem:$0x3FFE];
	[sflag:s23] =	ssyncadd.s32 $0xFFFFFFFF  }
0xa7: {  	s26 =	simm.s32 $execute0_lowered;
	[smem:$0x3FD2] =	sst s25  }
0xa8: {  	s7 =	sshll.u32 s26, $0x1;
	_ =	strace $0x80000046;
	[dreg:$0x1] =	wrdreg $0xFFFFFFFF  }
0xa9: {  	s28 =	simm.s32 $_size_execute0_lowered;
	s5 =	sadd.s32 s5, s7;
	[dreg:$0x0] =	wrdreg $0x0  }
0xaa: {  	s7 =	sshll.u32 s28, $0x1;
	[dreg:$0x2] =	wrdreg s5  }
0xab: {  	[dreg:$0x3] =	wrdreg s7  }
0xac: {  	[dreg:$0x4] =	wrdreg $0xC0  }
0xad: {  	_ =	task [dreg:s9], $0x5FFFF  }
0xae: {  	[dreg:$0x1] =	wrdreg $0xFFFFFFFF  }
0xaf: {  	[dreg:$0x0] =	wrdreg $0x60  }
0xb0: {  	[dreg:$0x2] =	wrdreg s2  }
0xb1: {  	[dreg:$0x3] =	wrdreg s18  }
0xb2: {  	[dreg:$0x4] =	wrdreg s4  }
0xb3: {  	[dreg:$0x5] =	wrdreg s24  }
0xb4: {  	[dreg:$0x6] =	wrdreg $0x9  }
0xb5: {  	_ =	task.clear_ibuf [dreg:s9], $0x7FFFF;
	_ =	strace $0x90000046  }
0xb6: {  	s29 =	simm.s32 $0x9;
	_ =	strace $0x80000048  }
0xb7: {  	_ =	swait.ge [sflag:s29], $0x1  }
0xb8: {  	[sflag:s29] =	ssyncadd.s32 $0xFFFFFFFF  }
0xb9: {  	_ =	strace $0x90000048  }
0xba: {  	_ =	sfence  }
0xbb: {  	s30 =	sld [smem:$0x0];
	_ =	sdelay $0x2  }
0xbc: {  	s31 =	sshll.u32 s1, $0xD;
	s1 =	sshrl.u32 s1, $0x2  }
0xbd: {  	s3 =	sand.u32 $0x4000, s31;
	s1 =	sadd.s32 s1, s30  }
0xbe: {  	s0 =	sor.u32 s3, s0;
	s1 =	sshll.u32 s1, $0x11  }
0xbf: {  	s0 =	sor.u32 s1, s0  }
0xc0: {  	s0 =	sadd.s32 $0x8F2B, s0  }
0xc1: {  	[sflag:s0] =	ssyncadd.remote.s32 $0x1  }
0xc2: {  	_ =	sfence.sel $0xFFFF  }
0xc3: {  	[dreg:$0x0] =	wrdreg $0xFFFFFFFF;
	(pc) =	sbr.abs _section_cstart, $3  }
0xc4: {  	[dreg:$0x1] =	wrdreg $0xFFFFFFFF  }
0xc5: {  	_ =	task.clear_ibuf [dreg:s9], $0x2FFFF;
	_ =	strace $0x9FFFFFFF  }
0xc6: {  	(tm) =	ssettm $0x7FFFFFFF  }
0xc7: {  	_ =	shalt  }
tec
execute0_lowered:
.L_overlay_start_1:
0x0: {  	(tag) =	ssettag $0x1  }
0x1: {  	s0 =	rddreg [dreg:$0x0]  }
0x2: {  	s2 =	rddreg [dreg:$0x1]  }
0x3: {  	s1 =	rddreg [dreg:$0x2]  }
0x4: {  	s13 =	rddreg [dreg:$0x3]  }
0x5: {  	s3 =	simm.s32 $0x0;
	s4 =	srdreg.scid;
	s5 =	stileid.u32  }
0x6: {  	s15 =	simm.s32 $0x8;
	s28 =	simm.s32 $0x19A00;
	s29 =	simm.s32 $0xA200  }
0x7: {  	s30 =	simm.s32 $0x1A200;
	s31 =	simm.s32 $0x1AA00;
	s16 =	simm.s32 $0xC200  }
0x8: {  	s17 =	simm.s32 $0x1C200;
	s18 =	simm.s32 $0x0;
	s4 =	sand.u32 $0x1, s4  }
0x9: {  	[smem:$0x7FF] =	sst s3;
	s5 =	sshll.u32 s5, $0x1;
	s6 =	ssub.s32 $0x2, s4  }
0xa: {  	_ =	strace $0x80000047;
	s11 =	sor.u32 s4, s5;
	s25 =	sshrl.u32 s6, $0x1  }
0xb: {  	s5 =	sshll.u32 s11, $0x6;
	s7 =	sshll.u32 s11, $0xF;
	s26 =	sshll.u32 s11, $0x4  }
0xc: {  	v2 =	vlaneseq.u32;
	s14 =	ssub.s32 s6, s25;
	s4 =	sadd.s32 s2, s5;
	s5 =	sadd.s32 s0, s7  }
0xd: {  	v0 =	vand.u32 $0x7, v2;
	v1 =	vshrl.u32 v2, $0x3;
	s6 =	sadd.s32 $0x100, s1;
	s13 =	sadd.s32 s13, s26;
	s26 =	simm.s32 $0x19200  }
0xe: {  	v63 =	vor.u32 $0x8, v2;
	[tilespmem:$0x1FFD0] =	vst v0;
	v62 =	vmul.u32 $0x8, v1;
	s0 =	simm.s32 $0x1B200;
	s2 =	simm.s32 $0x1BA00;
	s7 =	sadd.s32 $0x400, s5  }
0xf: {  	[tilespmem:$0x1FFF0] =	vst v63;
	s8 =	sadd.s32 $0x800, s5;
	s9 =	sadd.s32 $0xC00, s5;
	s10 =	sadd.s32 $0x1000, s5  }
0x10: {  	vm0 =	vmmov $0xffff;
	[tilespmem:$0x1FFE0] =	vst v62;
	s11 =	sadd.s32 $0x1400, s5;
	s12 =	sadd.s32 $0x1800, s5;
	s14 =	smax.u32 s14, $0x1  }
.LBB2_1:
0x11: {  	[tilespmem:s3], [sflag:$0x8] =	stream.linear.gather [hbm4b:s4+s3], $0x200, $0x38;
	[tilespmem:$0x1C280] =	vst v63  }
0x12: {  	_ =	swait.ge [sflag:s15], $0x200  }
0x13: {  	[sflag:s15] =	ssyncset.done $0x0  }
0x14: {  	[sflag:s15] =	ssyncadd.s32 $0xFFFFFE00  }
0x15: {  	v3 =	vld [tilespmem:$0x0];
	_ =	sdelay $0x2  }
0x16: {  	v0 =	vld [tilespmem:$0x1FFD0];
	_ =	sdelay $0x1  }
0x17: {  	v1 =	vld [tilespmem:$0x1FFE0];
	v4 =	vshll.u32 v3, $0x2  }
0x18: {  	v3 =	vand.u32 $0x7, v3;
	v4 =	vand.u32 $0xFFFFFFE0, v4  }
0x19: {  	v2 =	vld [tilespmem:$0x1FFF0];
	v3 =	vor.u32 v3, v4  }
0x1a: {  	v4 =	vperm.xlane v3, v0;
	_ =	sdelay $0x1  }
0x1b: {  	v4 =	vadd.s32 v1, v4;
	_ =	sdelay $0x1  }
0x1c: {  	v3 =	vperm.xlane v3, v2;
	_ =	sdelay $0x1  }
0x1d: {  	s19 =	simm.s32 $0xE200;
	v3 =	vadd.s32 v1, v3  }
0x1e: {  	[tilespmem:s19], [sflag:$0x1] =	stream.indirect_vreg.gather [hbm4b:s1+s3], $0x80, v4, vm0, $0xb8;
	[tilespmem:$0x1C280] =	vst v63  }
0x1f: {  	s24 =	simm.s32 $0xEA00  }
0x20: {  	[tilespmem:s24], [sflag:$0x1] =	stream.indirect_vreg.gather [hbm4b:s6+s3], $0x80, v4, vm0, $0xb8;
	[tilespmem:$0x1C280] =	vst v63  }
0x21: {  	s25 =	simm.s32 $0xF200  }
0x22: {  	[tilespmem:s25], [sflag:$0x1] =	stream.indirect_vreg.gather [hbm4b:s1+s3], $0x80, v3, vm0, $0xb8;
	[tilespmem:$0x1C280] =	vst v63  }
0x23: {  	s20 =	simm.s32 $0xFA00  }
0x24: {  	[tilespmem:s20], [sflag:$0x1] =	stream.indirect_vreg.gather [hbm4b:s6+s3], $0x80, v3, vm0, $0xb8;
	[tilespmem:$0x1C280] =	vst v63  }
0x25: {  	s21 =	simm.s32 $0x200  }
0x26: {  	[tilespmem:s21], [sflag:$0x1] =	stream.linear.gather [hbm4b:s5+s3], $0x2000, $0x38;
	[tilespmem:$0x1C280] =	vst v63  }
0x27: {  	v3 =	vld [tilespmem:$0x10];
	_ =	sdelay $0x4  }
0x28: {  	v4 =	vshll.u32 v3, $0x2  }
0x29: {  	v3 =	vand.u32 $0x7, v3;
	v4 =	vand.u32 $0xFFFFFFE0, v4  }
0x2a: {  	v3 =	vor.u32 v3, v4  }
0x2b: {  	v4 =	vperm.xlane v3, v0;
	_ =	sdelay $0x1  }
0x2c: {  	v4 =	vadd.s32 v1, v4;
	_ =	sdelay $0x1  }
0x2d: {  	v3 =	vperm.xlane v3, v2;
	_ =	sdelay $0x1  }
0x2e: {  	s22 =	simm.s32 $0x10200;
	v3 =	vadd.s32 v1, v3  }
0x2f: {  	[tilespmem:s22], [sflag:$0x2] =	stream.indirect_vreg.gather [hbm4b:s1+s3], $0x80, v4, vm0, $0xb8;
	[tilespmem:$0x1C280] =	vst v63  }
0x30: {  	s23 =	simm.s32 $0x10A00  }
0x31: {  	[tilespmem:s23], [sflag:$0x2] =	stream.indirect_vreg.gather [hbm4b:s6+s3], $0x80, v4, vm0, $0xb8;
	[tilespmem:$0x1C280] =	vst v63  }
0x32: {  	s24 =	simm.s32 $0x11200  }
0x33: {  	[tilespmem:s24], [sflag:$0x2] =	stream.indirect_vreg.gather [hbm4b:s1+s3], $0x80, v3, vm0, $0xb8;
	[tilespmem:$0x1C280] =	vst v63  }
0x34: {  	s25 =	simm.s32 $0x11A00  }
0x35: {  	[tilespmem:s25], [sflag:$0x2] =	stream.indirect_vreg.gather [hbm4b:s6+s3], $0x80, v3, vm0, $0xb8;
	[tilespmem:$0x1C280] =	vst v63  }
0x36: {  	s20 =	simm.s32 $0x2200  }
0x37: {  	[tilespmem:s20], [sflag:$0x2] =	stream.linear.gather [hbm4b:s7+s3], $0x2000, $0x38;
	[tilespmem:$0x1C280] =	vst v63  }
0x38: {  	v3 =	vld [tilespmem:$0x20];
	_ =	sdelay $0x4  }
0x39: {  	v4 =	vshll.u32 v3, $0x2  }
0x3a: {  	v3 =	vand.u32 $0x7, v3;
	v4 =	vand.u32 $0xFFFFFFE0, v4  }
0x3b: {  	v3 =	vor.u32 v3, v4  }
0x3c: {  	v4 =	vperm.xlane v3, v0;
	_ =	sdelay $0x1  }
0x3d: {  	v4 =	vadd.s32 v1, v4;
	_ =	sdelay $0x1  }
0x3e: {  	v3 =	vperm.xlane v3, v2;
	_ =	sdelay $0x1  }
0x3f: {  	s21 =	simm.s32 $0x12200;
	v3 =	vadd.s32 v1, v3  }
0x40: {  	[tilespmem:s21], [sflag:$0x3] =	stream.indirect_vreg.gather [hbm4b:s1+s3], $0x80, v4, vm0, $0xb8;
	[tilespmem:$0x1C280] =	vst v63  }
0x41: {  	s22 =	simm.s32 $0x12A00  }
0x42: {  	[tilespmem:s22], [sflag:$0x3] =	stream.indirect_vreg.gather [hbm4b:s6+s3], $0x80, v4, vm0, $0xb8;
	[tilespmem:$0x1C280] =	vst v63  }
0x43: {  	s23 =	simm.s32 $0x13200  }
0x44: {  	[tilespmem:s23], [sflag:$0x3] =	stream.indirect_vreg.gather [hbm4b:s1+s3], $0x80, v3, vm0, $0xb8;
	[tilespmem:$0x1C280] =	vst v63  }
0x45: {  	s24 =	simm.s32 $0x13A00  }
0x46: {  	[tilespmem:s24], [sflag:$0x3] =	stream.indirect_vreg.gather [hbm4b:s6+s3], $0x80, v3, vm0, $0xb8;
	[tilespmem:$0x1C280] =	vst v63  }
0x47: {  	s25 =	simm.s32 $0x4200  }
0x48: {  	[tilespmem:s25], [sflag:$0x3] =	stream.linear.gather [hbm4b:s8+s3], $0x2000, $0x38;
	[tilespmem:$0x1C280] =	vst v63  }
0x49: {  	v3 =	vld [tilespmem:$0x30];
	_ =	sdelay $0x4  }
0x4a: {  	v4 =	vshll.u32 v3, $0x2  }
0x4b: {  	v3 =	vand.u32 $0x7, v3;
	v4 =	vand.u32 $0xFFFFFFE0, v4  }
0x4c: {  	v3 =	vor.u32 v3, v4  }
0x4d: {  	v4 =	vperm.xlane v3, v0;
	_ =	sdelay $0x1  }
0x4e: {  	v4 =	vadd.s32 v1, v4;
	_ =	sdelay $0x1  }
0x4f: {  	v3 =	vperm.xlane v3, v2;
	_ =	sdelay $0x1  }
0x50: {  	s20 =	simm.s32 $0x14200;
	v3 =	vadd.s32 v1, v3  }
0x51: {  	[tilespmem:s20], [sflag:$0x4] =	stream.indirect_vreg.gather [hbm4b:s1+s3], $0x80, v4, vm0, $0xb8;
	[tilespmem:$0x1C280] =	vst v63  }
0x52: {  	s21 =	simm.s32 $0x14A00  }
0x53: {  	[tilespmem:s21], [sflag:$0x4] =	stream.indirect_vreg.gather [hbm4b:s6+s3], $0x80, v4, vm0, $0xb8;
	[tilespmem:$0x1C280] =	vst v63  }
0x54: {  	s22 =	simm.s32 $0x15200  }
0x55: {  	[tilespmem:s22], [sflag:$0x4] =	stream.indirect_vreg.gather [hbm4b:s1+s3], $0x80, v3, vm0, $0xb8;
	[tilespmem:$0x1C280] =	vst v63  }
0x56: {  	s23 =	simm.s32 $0x15A00  }
0x57: {  	[tilespmem:s23], [sflag:$0x4] =	stream.indirect_vreg.gather [hbm4b:s6+s3], $0x80, v3, vm0, $0xb8;
	[tilespmem:$0x1C280] =	vst v63  }
0x58: {  	s24 =	simm.s32 $0x6200  }
0x59: {  	[tilespmem:s24], [sflag:$0x4] =	stream.linear.gather [hbm4b:s9+s3], $0x2000, $0x38;
	[tilespmem:$0x1C280] =	vst v63  }
0x5a: {  	v3 =	vld [tilespmem:$0x40];
	_ =	sdelay $0x4  }
0x5b: {  	v4 =	vshll.u32 v3, $0x2  }
0x5c: {  	v3 =	vand.u32 $0x7, v3;
	v4 =	vand.u32 $0xFFFFFFE0, v4  }
0x5d: {  	v3 =	vor.u32 v3, v4  }
0x5e: {  	v4 =	vperm.xlane v3, v0;
	_ =	sdelay $0x1  }
0x5f: {  	v4 =	vadd.s32 v1, v4;
	_ =	sdelay $0x1  }
0x60: {  	v3 =	vperm.xlane v3, v2;
	_ =	sdelay $0x1  }
0x61: {  	s25 =	simm.s32 $0x16200;
	v3 =	vadd.s32 v1, v3  }
0x62: {  	[tilespmem:s25], [sflag:$0x5] =	stream.indirect_vreg.gather [hbm4b:s1+s3], $0x80, v4, vm0, $0xb8;
	[tilespmem:$0x1C280] =	vst v63  }
0x63: {  	s20 =	simm.s32 $0x16A00  }
0x64: {  	[tilespmem:s20], [sflag:$0x5] =	stream.indirect_vreg.gather [hbm4b:s6+s3], $0x80, v4, vm0, $0xb8;
	[tilespmem:$0x1C280] =	vst v63  }
0x65: {  	s21 =	simm.s32 $0x17200  }
0x66: {  	[tilespmem:s21], [sflag:$0x5] =	stream.indirect_vreg.gather [hbm4b:s1+s3], $0x80, v3, vm0, $0xb8;
	[tilespmem:$0x1C280] =	vst v63  }
0x67: {  	s22 =	simm.s32 $0x17A00  }
0x68: {  	[tilespmem:s22], [sflag:$0x5] =	stream.indirect_vreg.gather [hbm4b:s6+s3], $0x80, v3, vm0, $0xb8;
	[tilespmem:$0x1C280] =	vst v63  }
0x69: {  	s23 =	simm.s32 $0x8200  }
0x6a: {  	[tilespmem:s23], [sflag:$0x5] =	stream.linear.gather [hbm4b:s10+s3], $0x2000, $0x38;
	[tilespmem:$0x1C280] =	vst v63  }
0x6b: {  	v3 =	vld [tilespmem:$0x50];
	_ =	sdelay $0x4  }
0x6c: {  	v4 =	vshll.u32 v3, $0x2  }
0x6d: {  	v3 =	vand.u32 $0x7, v3;
	v4 =	vand.u32 $0xFFFFFFE0, v4  }
0x6e: {  	v3 =	vor.u32 v3, v4  }
0x6f: {  	v4 =	vperm.xlane v3, v0;
	_ =	sdelay $0x1  }
0x70: {  	v4 =	vadd.s32 v1, v4;
	_ =	sdelay $0x1  }
0x71: {  	v3 =	vperm.xlane v3, v2;
	_ =	sdelay $0x1  }
0x72: {  	s24 =	simm.s32 $0x18200;
	v3 =	vadd.s32 v1, v3  }
0x73: {  	[tilespmem:s24], [sflag:$0x6] =	stream.indirect_vreg.gather [hbm4b:s1+s3], $0x80, v4, vm0, $0xb8;
	[tilespmem:$0x1C280] =	vst v63  }
0x74: {  	s25 =	simm.s32 $0x18A00  }
0x75: {  	[tilespmem:s25], [sflag:$0x6] =	stream.indirect_vreg.gather [hbm4b:s6+s3], $0x80, v4, vm0, $0xb8;
	[tilespmem:$0x1C280] =	vst v63  }
0x76: {  	_ = 	snop  }
0x77: {  	[tilespmem:s26], [sflag:$0x6] =	stream.indirect_vreg.gather [hbm4b:s1+s3], $0x80, v3, vm0, $0xb8;
	[tilespmem:$0x1C280] =	vst v63  }
0x78: {  	_ = 	snop  }
0x79: {  	[tilespmem:s28], [sflag:$0x6] =	stream.indirect_vreg.gather [hbm4b:s6+s3], $0x80, v3, vm0, $0xb8;
	[tilespmem:$0x1C280] =	vst v63  }
0x7a: {  	_ = 	snop  }
0x7b: {  	[tilespmem:s29], [sflag:$0x6] =	stream.linear.gather [hbm4b:s11+s3], $0x2000, $0x38;
	[tilespmem:$0x1C280] =	vst v63  }
0x7c: {  	v3 =	vld [tilespmem:$0x60];
	_ =	sdelay $0x4  }
0x7d: {  	v4 =	vshll.u32 v3, $0x2  }
0x7e: {  	v3 =	vand.u32 $0x7, v3;
	v4 =	vand.u32 $0xFFFFFFE0, v4  }
0x7f: {  	v3 =	vor.u32 v3, v4  }
0x80: {  	v4 =	vperm.xlane v3, v0;
	_ =	sdelay $0x1  }
0x81: {  	v4 =	vadd.s32 v1, v4;
	_ =	sdelay $0x1  }
0x82: {  	v3 =	vperm.xlane v3, v2;
	_ =	sdelay $0x1  }
0x83: {  	v3 =	vadd.s32 v1, v3  }
0x84: {  	[tilespmem:s30], [sflag:$0x7] =	stream.indirect_vreg.gather [hbm4b:s1+s3], $0x80, v4, vm0, $0xb8;
	[tilespmem:$0x1C280] =	vst v63  }
0x85: {  	_ = 	snop  }
0x86: {  	[tilespmem:s31], [sflag:$0x7] =	stream.indirect_vreg.gather [hbm4b:s6+s3], $0x80, v4, vm0, $0xb8;
	[tilespmem:$0x1C280] =	vst v63  }
0x87: {  	_ = 	snop  }
0x88: {  	[tilespmem:s0], [sflag:$0x7] =	stream.indirect_vreg.gather [hbm4b:s1+s3], $0x80, v3, vm0, $0xb8;
	[tilespmem:$0x1C280] =	vst v63  }
0x89: {  	_ = 	snop  }
0x8a: {  	v5 =	vimm.f32 $0.0e+00;
	v11 =	vimm.f32 $0.0e+00;
	[tilespmem:s2], [sflag:$0x7] =	stream.indirect_vreg.gather [hbm4b:s6+s3], $0x80, v3, vm0, $0xb8;
	[tilespmem:$0x1C280] =	vst v63  }
0x8b: {  	v7 =	vimm.f32 $0.0e+00;
	v8 =	vimm.f32 $0.0e+00;
	v10 =	vimm.f32 $0.0e+00;
	s19 =	simm.s32 $0x0  }
0x8c: {  	v9 =	vimm.f32 $0.0e+00;
	v2 =	vimm.f32 $0.0e+00;
	v1 =	vimm.f32 $0.0e+00;
	[tilespmem:s16], [sflag:$0x7] =	stream.linear.gather [hbm4b:s12+s3], $0x2000, $0x38;
	[tilespmem:$0x1C280] =	vst v63  }
.LBB2_2:
0x8d: {  	s20 =	smul.u32 $0x25, s19;
	_ =	sdelay $0x1  }
0x8e: {  	s20 =	sshrl.u32 s20, $0x8  }
0x8f: {  	s21 =	ssub.s32 s19, s20  }
0x90: {  	s21 =	sand.u32 $0xFE, s21  }
0x91: {  	s21 =	sshrl.u32 s21, $0x1  }
0x92: {  	s20 =	sadd.s32 s20, s21  }
0x93: {  	s20 =	sand.u32 $0xFC, s20  }
0x94: {  	s20 =	sshrl.u32 s20, $0x2  }
0x95: {  	s20 =	smul.u32 $0x7, s20;
	_ =	sdelay $0x1  }
0x96: {  	[tilespmem:$0x1FFA0] =	vst v1;
	s20 =	ssub.s32 s19, s20  }
0x97: {  	[tilespmem:$0x1FFB0] =	vst v2;
	s25 =	sand.u32 $0xFF, s20  }
0x98: {  	[tilespmem:$0x1FFC0] =	vst v11;
	s20 =	sadd.s32 $0x1, s25  }
0x99: {  	_ =	swait.ge [sflag:s20], $0x2000  }
0x9a: {  	[sflag:s20] =	ssyncset.done $0x0  }
0x9b: {  	s22 =	simm.s32 $0x0;
	[sflag:s20] =	ssyncadd.s32 $0xFFFFE000  }
0x9c: {  	s23 =	sand.u32 $0x1000, s22;
	s22 =	sand.u32 $0x380, s22;
	_ =	swait.ge [sflag:s20], $0x2000  }
0x9d: {  	s22 =	sor.u32 s23, s22;
	s21 =	sshll.u32 s25, $0xD;
	[sflag:s20] =	ssyncset.done $0x0  }
0x9e: {  	s22 =	sor.u32 s21, s22;
	[sflag:s20] =	ssyncadd.s32 $0xFFFFE000  }
0x9f: {  	v11 =	vld [tilespmem:s22+$0xE00]  }
0xa0: {  	v12 =	vld [tilespmem:s22+$0xEE00]  }
0xa1: {  	v13 =	vld [tilespmem:s22+$0xE10]  }
0xa2: {  	v14 =	vld [tilespmem:s22+$0xEE10]  }
0xa3: {  	v15 =	vld [tilespmem:s22+$0xE20]  }
0xa4: {  	v16 =	vld [tilespmem:s22+$0xEE20]  }
0xa5: {  	v17 =	vld [tilespmem:s22+$0xE30]  }
0xa6: {  	v18 =	vld [tilespmem:s22+$0xEE30]  }
0xa7: {  	v19 =	vld [tilespmem:s22+$0xE40]  }
0xa8: {  	v20 =	vld [tilespmem:s22+$0xEE40]  }
0xa9: {  	v21 =	vld [tilespmem:s22+$0xE50]  }
0xaa: {  	v22 =	vld [tilespmem:s22+$0xEE50]  }
0xab: {  	v23 =	vld [tilespmem:s22+$0xE60]  }
0xac: {  	v24 =	vld [tilespmem:s22+$0xEE60]  }
0xad: {  	v25 =	vld [tilespmem:s22+$0xE70]  }
0xae: {  	v26 =	vld [tilespmem:s22+$0xEE70]  }
0xaf: {  	v27 =	vld [tilespmem:s22+$0xA00]  }
0xb0: {  	v28 =	vld [tilespmem:s22+$0xEA00]  }
0xb1: {  	v29 =	vld [tilespmem:s22+$0xA10]  }
0xb2: {  	v30 =	vld [tilespmem:s22+$0xEA10]  }
0xb3: {  	v31 =	vld [tilespmem:s22+$0xA20]  }
0xb4: {  	v32 =	vld [tilespmem:s22+$0xEA20]  }
0xb5: {  	v33 =	vld [tilespmem:s22+$0xA30]  }
0xb6: {  	v34 =	vld [tilespmem:s22+$0xEA30]  }
0xb7: {  	v35 =	vld [tilespmem:s22+$0xA40]  }
0xb8: {  	v36 =	vld [tilespmem:s22+$0xEA40]  }
0xb9: {  	v37 =	vld [tilespmem:s22+$0xA50]  }
0xba: {  	v38 =	vld [tilespmem:s22+$0xEA50]  }
0xbb: {  	v39 =	vld [tilespmem:s22+$0xA60]  }
0xbc: {  	v40 =	vld [tilespmem:s22+$0xEA60]  }
0xbd: {  	v41 =	vld [tilespmem:s22+$0xA70]  }
0xbe: {  	v42 =	vld [tilespmem:s22+$0xEA70]  }
0xbf: {  	v43 =	vld [tilespmem:s22+$0x600]  }
0xc0: {  	v44 =	vld [tilespmem:s22+$0xE600]  }
0xc1: {  	v45 =	vld [tilespmem:s22+$0x610]  }
0xc2: {  	v46 =	vld [tilespmem:s22+$0xE610]  }
0xc3: {  	v47 =	vld [tilespmem:s22+$0x620]  }
0xc4: {  	v48 =	vld [tilespmem:s22+$0xE620]  }
0xc5: {  	v49 =	vld [tilespmem:s22+$0x630]  }
0xc6: {  	v50 =	vld [tilespmem:s22+$0xE630]  }
0xc7: {  	v51 =	vld [tilespmem:s22+$0x640]  }
0xc8: {  	v52 =	vld [tilespmem:s22+$0xE640]  }
0xc9: {  	v53 =	vld [tilespmem:s22+$0x650]  }
0xca: {  	v54 =	vld [tilespmem:s22+$0xE650]  }
0xcb: {  	v55 =	vld [tilespmem:s22+$0x660]  }
0xcc: {  	v56 =	vld [tilespmem:s22+$0xE660]  }
0xcd: {  	v57 =	vld [tilespmem:s22+$0x670]  }
0xce: {  	v59 =	vld [tilespmem:s22+$0xE670];
	v58 =	vsub.f32 v11, v12;
	v60 =	vsub.f32 v13, v14  }
0xcf: {  	v63 =	vld [tilespmem:s22+$0x210];
	v15 =	vsub.f32 v15, v16;
	v61 =	vsub.f32 v17, v18  }
0xd0: {  	v2 =	vld [tilespmem:s22+$0xE210];
	v19 =	vsub.f32 v19, v20;
	v62 =	vsub.f32 v21, v22  }
0xd1: {  	v3 =	vld [tilespmem:s22+$0x240];
	v12 =	vsub.f32 v23, v24;
	v0 =	vsub.f32 v27, v28  }
0xd2: {  	v16 =	vld [tilespmem:s22+$0x200];
	v11 =	vsub.f32 v25, v26;
	v29 =	vsub.f32 v29, v30  }
0xd3: {  	v20 =	vld [tilespmem:s22+$0xE200];
	v30 =	vsub.f32 v31, v32;
	v33 =	vsub.f32 v33, v34  }
0xd4: {  	v31 =	vld [tilespmem:s22+$0x220];
	v1 =	vsub.f32 v35, v36;
	v37 =	vsub.f32 v37, v38  }
0xd5: {  	v32 =	vld [tilespmem:s22+$0xE220];
	v14 =	vsub.f32 v39, v40;
	v38 =	vsub.f32 v43, v44  }
0xd6: {  	v34 =	vld [tilespmem:s22+$0x230];
	v13 =	vsub.f32 v41, v42;
	v45 =	vsub.f32 v45, v46  }
0xd7: {  	v41 =	vld [tilespmem:s22+$0xE230];
	v25 =	vsub.f32 v47, v48;
	v26 =	vsub.f32 v49, v50  }
0xd8: {  	v28 =	vsub.f32 v51, v52;
	v52 =	vld [tilespmem:s22+$0xE240];
	v27 =	vsub.f32 v53, v54;
	v23 =	vmul.f32 v58, v58  }
0xd9: {  	v18 =	vsub.f32 v55, v56;
	v56 =	vld [tilespmem:s22+$0x250];
	v21 =	vmul.f32 v60, v60;
	v24 =	vmul.f32 v15, v15  }
0xda: {  	v17 =	vsub.f32 v57, v59;
	v60 =	vld [tilespmem:s22+$0xE250];
	v22 =	vmul.f32 v61, v61;
	v15 =	vmul.f32 v19, v19  }
0xdb: {  	v39 =	vsub.f32 v63, v2;
	v19 =	vmul.f32 v1, v1;
	v38 =	vmul.f32 v38, v38  }
0xdc: {  	v35 =	vld [tilespmem:s22+$0x260];
	v36 =	vsub.f32 v16, v20;
	v16 =	vmul.f32 v62, v62;
	v42 =	vsub.f32 v31, v32  }
0xdd: {  	v40 =	vld [tilespmem:s22+$0xE260];
	v31 =	vmul.f32 v0, v0;
	v32 =	vmul.f32 v29, v29;
	v41 =	vsub.f32 v34, v41  }
0xde: {  	v43 =	vld [tilespmem:s22+$0x270];
	v29 =	vmul.f32 v30, v30;
	v30 =	vmul.f32 v33, v33;
	v34 =	vsub.f32 v3, v52  }
0xdf: {  	s23 =	simm.s32 $0x200;
	v44 =	vld [tilespmem:s22+$0xE270];
	s22 =	simm.s32 $0x80;
	v20 =	vmul.f32 v37, v37;
	v37 =	vmul.f32 v45, v45;
	v45 =	vmovc v5;
	v33 =	vsub.f32 v56, v60  }
.LBB2_3:
0xe0: {  	s24 =	sand.u32 $0x1000, s23;
	s25 =	sand.u32 $0x380, s22  }
0xe1: {  	v3 =	vld [tilespmem:$0x1FFC0];
	v1 =	vmul.f32 v39, v39;
	s24 =	sor.u32 s24, s25  }
0xe2: {  	v46 =	vld [tilespmem:$0x1FFA0];
	s24 =	sor.u32 s21, s24  }
0xe3: {  	v1 =	vadd.f32 v1, v10;
	v10 =	vmul.f32 v26, v26;
	v26 =	vld [tilespmem:s24+$0xEE00]  }
0xe4: {  	v60 =	vmul.f32 v28, v28;
	v28 =	vld [tilespmem:s24+$0xE10]  }
0xe5: {  	v62 =	vmul.f32 v33, v33;
	v61 =	vld [tilespmem:s24+$0xEE10]  }
0xe6: {  	v63 =	vld [tilespmem:s24+$0xE30]  }
0xe7: {  	v5 =	vadd.f32 v62, v45;
	v45 =	vld [tilespmem:$0x1FFB0]  }
0xe8: {  	v47 =	vmul.f32 v17, v17;
	v17 =	vld [tilespmem:s24+$0xEE40]  }
0xe9: {  	v48 =	vmul.f32 v13, v13;
	v13 =	vld [tilespmem:s24+$0xEE50]  }
0xea: {  	v49 =	vmul.f32 v11, v11;
	v11 =	vld [tilespmem:s24+$0xEE60]  }
0xeb: {  	v33 =	vld [tilespmem:s24+$0xEA40]  }
0xec: {  	v39 =	vld [tilespmem:s24+$0xA70]  }
0xed: {  	v58 =	vmul.f32 v41, v41;
	v41 =	vld [tilespmem:s24+$0x600]  }
0xee: {  	v57 =	vmul.f32 v42, v42;
	v42 =	vld [tilespmem:s24+$0xE600]  }
0xef: {  	v50 =	vld [tilespmem:s24+$0xE640]  }
0xf0: {  	v51 =	vld [tilespmem:s24+$0x650]  }
0xf1: {  	v52 =	vld [tilespmem:s24+$0xE650]  }
0xf2: {  	v53 =	vld [tilespmem:s24+$0x660]  }
0xf3: {  	v54 =	vld [tilespmem:s24+$0xE660]  }
0xf4: {  	v55 =	vld [tilespmem:s24+$0x670]  }
0xf5: {  	v0 =	vmul.f32 v36, v36;
	v56 =	vld [tilespmem:s24+$0xE670]  }
0xf6: {  	v8 =	vadd.f32 v57, v8;
	v57 =	vld [tilespmem:s24+$0x200]  }
0xf7: {  	v0 =	vadd.f32 v0, v9;
	v9 =	vmul.f32 v25, v25;
	v25 =	vld [tilespmem:s24+$0xE00]  }
0xf8: {  	v2 =	vsub.f32 v35, v40;
	v35 =	vld [tilespmem:s24+$0xEA50]  }
0xf9: {  	v27 =	vmul.f32 v27, v27;
	v40 =	vld [tilespmem:s24+$0xEA70]  }
0xfa: {  	v34 =	vmul.f32 v34, v34;
	v59 =	vsub.f32 v43, v44;
	v43 =	vld [tilespmem:s24+$0x610]  }
0xfb: {  	v5 =	vadd.f32 v27, v5;
	v27 =	vld [tilespmem:s24+$0xA30]  }
0xfc: {  	v6 =	vadd.f32 v34, v3;
	v34 =	vld [tilespmem:s24+$0xA50]  }
0xfd: {  	v1 =	vadd.f32 v37, v1;
	v37 =	vld [tilespmem:s24+$0xA60]  }
0xfe: {  	v3 =	vld [tilespmem:s24+$0x230]  }
0xff: {  	v7 =	vadd.f32 v58, v7;
	v0 =	vadd.f32 v38, v0;
	v38 =	vld [tilespmem:s24+$0xEA60]  }
0x100: {  	v44 =	vmul.f32 v59, v59;
	v59 =	vld [tilespmem:s24+$0xE200]  }
0x101: {  	v7 =	vadd.f32 v10, v7;
	v4 =	vadd.f32 v60, v6;
	v6 =	vmul.f32 v14, v14;
	v14 =	vld [tilespmem:s24+$0xE50]  }
0x102: {  	v5 =	vadd.f32 v20, v5;
	v20 =	vld [tilespmem:s24+$0xEA10]  }
0x103: {  	v7 =	vadd.f32 v30, v7;
	v30 =	vld [tilespmem:s24+$0xEA30]  }
0x104: {  	v8 =	vadd.f32 v9, v8;
	v1 =	vadd.f32 v32, v1;
	v32 =	vld [tilespmem:s24+$0xA40]  }
0x105: {  	v2 =	vmul.f32 v2, v2;
	v0 =	vadd.f32 v31, v0;
	v31 =	vld [tilespmem:s24+$0xE20]  }
0x106: {  	v8 =	vadd.f32 v29, v8;
	v29 =	vld [tilespmem:s24+$0xEE20]  }
0x107: {  	v2 =	vadd.f32 v2, v45;
	v45 =	vld [tilespmem:s24+$0x620]  }
0x108: {  	v36 =	vsub.f32 v28, v61;
	v61 =	vld [tilespmem:s24+$0xE210]  }
0x109: {  	v10 =	vadd.f32 v21, v1;
	v21 =	vld [tilespmem:s24+$0xEE30]  }
0x10a: {  	v4 =	vadd.f32 v19, v4;
	v19 =	vld [tilespmem:s24+$0xA10]  }
0x10b: {  	v1 =	vadd.f32 v44, v46;
	v44 =	vld [tilespmem:s24+$0xE610]  }
0x10c: {  	v18 =	vmul.f32 v18, v18;
	v46 =	vld [tilespmem:s24+$0xE620]  }
0x10d: {  	v9 =	vadd.f32 v24, v8;
	v8 =	vadd.f32 v22, v7;
	v22 =	vld [tilespmem:s24+$0xE40]  }
0x10e: {  	v2 =	vadd.f32 v18, v2;
	v18 =	vld [tilespmem:s24+$0xE60]  }
0x10f: {  	v7 =	vadd.f32 v16, v5;
	v16 =	vld [tilespmem:s24+$0xEA00]  }
0x110: {  	v0 =	vadd.f32 v23, v0;
	v23 =	vld [tilespmem:s24+$0xA20]  }
0x111: {  	v58 =	vsub.f32 v25, v26;
	v24 =	vld [tilespmem:s24+$0xEA20];
	v5 =	vsub.f32 v34, v35  }
0x112: {  	v34 =	vld [tilespmem:s24+$0x240];
	v1 =	vadd.f32 v47, v1;
	v4 =	vadd.f32 v15, v4  }
0x113: {  	v15 =	vld [tilespmem:s24+$0xE70];
	v2 =	vadd.f32 v6, v2;
	v62 =	vsub.f32 v14, v13  }
0x114: {  	v47 =	vld [tilespmem:s24+$0x630];
	v30 =	vsub.f32 v27, v30;
	v33 =	vsub.f32 v32, v33  }
0x115: {  	v14 =	vsub.f32 v37, v38;
	v37 =	vsub.f32 v41, v42;
	v38 =	vld [tilespmem:s24+$0xE240]  }
0x116: {  	v12 =	vmul.f32 v12, v12;
	v13 =	vsub.f32 v39, v40;
	v1 =	vadd.f32 v48, v1;
	v48 =	vld [tilespmem:s24+$0xE630]  }
0x117: {  	v27 =	vsub.f32 v51, v52;
	v29 =	vsub.f32 v31, v29;
	v31 =	vld [tilespmem:s24+$0x210]  }
0x118: {  	[tilespmem:$0x1FFC0] =	vst v4;
	v4 =	vld [tilespmem:s24+$0xE230];
	v2 =	vadd.f32 v12, v2;
	v1 =	vadd.f32 v49, v1  }
0x119: {  	[tilespmem:$0x1FF90] =	vst v0;
	v0 =	vsub.f32 v63, v21;
	v19 =	vsub.f32 v19, v20;
	v49 =	vld [tilespmem:s24+$0x640]  }
0x11a: {  	v6 =	vsub.f32 v43, v44;
	v25 =	vsub.f32 v45, v46;
	[tilespmem:$0x1FFA0] =	vst v1;
	v1 =	vld [tilespmem:s24+$0xEE70]  }
0x11b: {  	v63 =	vld [tilespmem:s24+$0x220];
	v21 =	vmul.f32 v36, v36;
	v36 =	vsub.f32 v57, v59;
	v60 =	vsub.f32 v22, v17  }
0x11c: {  	v30 =	vmul.f32 v30, v30;
	v12 =	vsub.f32 v18, v11;
	v20 =	vsub.f32 v23, v24;
	[tilespmem:$0x1FFB0] =	vst v2;
	v2 =	vld [tilespmem:s24+$0xA00]  }
0x11d: {  	v45 =	vld [tilespmem:s24+$0x250];
	v18 =	vsub.f32 v53, v54;
	v17 =	vsub.f32 v55, v56;
	v23 =	vmul.f32 v58, v58  }
0x11e: {  	v24 =	vmul.f32 v29, v29;
	v22 =	vmul.f32 v0, v0;
	v28 =	vsub.f32 v49, v50;
	v50 =	vld [tilespmem:s24+$0xE250]  }
0x11f: {  	p0 =	sne.s32 s23, $0x1E00;
	v32 =	vmul.f32 v19, v19;
	v19 =	vmul.f32 v33, v33;
	v11 =	vsub.f32 v15, v1;
	v1 =	vld [tilespmem:s24+$0xE220]  }
.Ltmp0:
0x120: {  	v35 =	vld [tilespmem:s24+$0x260];
	v29 =	vmul.f32 v20, v20;
	v34 =	vsub.f32 v34, v38;
	v20 =	vmul.f32 v5, v5;
	(pc) =	sbr.rel @p0 .LBB2_3-.Ltmp0, $4  }
0x121: {  	v40 =	vld [tilespmem:s24+$0xE260];
	v38 =	vmul.f32 v37, v37;
	v37 =	vmul.f32 v6, v6;
	v2 =	vsub.f32 v2, v16  }
0x122: {  	v43 =	vld [tilespmem:s24+$0x270];
	v26 =	vsub.f32 v47, v48;
	v39 =	vsub.f32 v31, v61;
	v16 =	vmul.f32 v62, v62  }
0x123: {  	v44 =	vld [tilespmem:s24+$0xE270];
	v41 =	vsub.f32 v3, v4;
	v15 =	vmul.f32 v60, v60;
	v31 =	vmul.f32 v2, v2  }
0x124: {  	s22 =	sadd.s32 $0x80, s22;
	s23 =	sadd.s32 $0x200, s23;
	v33 =	vsub.f32 v45, v50;
	v45 =	vmovc v7;
	v7 =	vmovc v8;
	v8 =	vmov v9;
	v9 =	vld [tilespmem:$0x1FF90];
	v42 =	vsub.f32 v63, v1  }
0x125: {  	p0 =	sgt.u32 s19, $0x18  }
0x126: {  	s22 =	sshll.u32 @!p0 s19, $0x4  }
0x127: {  	v0 =	vld @!p0 [tilespmem:s22+$0x70];
	_ =	sdelay $0x4  }
0x128: {  	v1 =	vmul.f32 v36, v36;
	v3 =	vsub.f32 v35, v40;
	v6 =	vshll.u32 @!p0 v0, $0x2  }
0x129: {  	v35 =	vlaneseq.u32 @!p0;
	v0 =	vand.u32 @!p0 $0x7, v0;
	v6 =	vand.u32 @!p0 $0xFFFFFFE0, v6  }
0x12a: {  	v36 =	vshrl.u32 @!p0 v35, $0x3;
	v0 =	vor.u32 @!p0 v0, v6;
	v6 =	vand.u32 @!p0 $0x7, v35  }
0x12b: {  	v36 =	vmul.u32 @!p0 $0x8, v36;
	v6 =	vperm.xlane @!p0 v0, v6;
	_ =	sdelay $0x1  }
0x12c: {  	v6 =	vadd.s32 @!p0 v36, v6;
	_ =	sdelay $0x1  }
0x12d: {  	v2 =	vmul.f32 v39, v39;
	_ =	sdelay $0x1  }
0x12e: {  	v59 =	vmul.f32 v41, v41;
	s23 =	sadd.s32 @!p0 $0xE200, s21;
	vm1 =	vmmov @!p0 $0xffff;
	s24 =	simm.s32 @!p0 $0x0;
	v2 =	vadd.f32 v2, v10  }
0x12f: {  	v4 =	vmul.f32 v42, v42;
	v10 =	vor.u32 @!p0 $0x8, v35;
	[tilespmem:s23], [sflag:s20] =	stream.indirect_vreg.gather @!p0 [hbm4b:s1+s24], $0x80, v6, vm1, $0xb8;
	[tilespmem:$0x1C280] =	vst v63  }
0x130: {  	v7 =	vadd.f32 v59, v7;
	v2 =	vadd.f32 v37, v2;
	v0 =	vperm.xlane @!p0 v0, v10;
	s23 =	sadd.s32 @!p0 $0xEA00, s21  }
0x131: {  	v4 =	vadd.f32 v4, v8;
	v8 =	vmul.f32 v26, v26;
	[tilespmem:s23], [sflag:s20] =	stream.indirect_vreg.gather @!p0 [hbm4b:s6+s24], $0x80, v6, vm1, $0xb8;
	v6 =	vld [tilespmem:$0x1FFB0]  }
0x132: {  	v1 =	vadd.f32 v1, v9;
	v2 =	vadd.f32 v32, v2;
	v0 =	vadd.s32 @!p0 v36, v0  }
0x133: {  	v60 =	vmul.f32 v28, v28;
	v9 =	vmul.f32 v25, v25;
	v7 =	vadd.f32 v8, v7  }
0x134: {  	v3 =	vmul.f32 v3, v3;
	v1 =	vadd.f32 v38, v1;
	v10 =	vadd.f32 v21, v2;
	v2 =	vld [tilespmem:$0x1FFC0]  }
0x135: {  	v61 =	vmul.f32 v27, v27;
	v4 =	vadd.f32 v9, v4;
	v7 =	vadd.f32 v30, v7  }
0x136: {  	v62 =	vmul.f32 v34, v34;
	s22 =	sadd.s32 @!p0 $0x70, s22;
	v1 =	vadd.f32 v31, v1;
	s23 =	sadd.s32 @!p0 $0xF200, s21;
	v3 =	vadd.f32 v3, v6;
	v6 =	vld [tilespmem:$0x1FFA0]  }
0x137: {  	v5 =	vsub.f32 v43, v44;
	v4 =	vadd.f32 v29, v4;
	[tilespmem:s23], [sflag:s20] =	stream.indirect_vreg.gather @!p0 [hbm4b:s1+s24], $0x80, v0, vm1, $0xb8;
	[tilespmem:$0x1C280] =	vst v63  }
0x138: {  	v63 =	vmul.f32 v33, v33;
	s22 =	sshll.u32 @!p0 s22, $0x6;
	v7 =	vadd.f32 v22, v7;
	v9 =	vadd.f32 v23, v1;
	s23 =	sadd.s32 @!p0 $0xFA00, s21  }
0x139: {  	v1 =	vmul.f32 v5, v5;
	v2 =	vadd.f32 v62, v2;
	[tilespmem:s23], [sflag:s20] =	stream.indirect_vreg.gather @!p0 [hbm4b:s6+s24], $0x80, v0, vm1, $0xb8;
	[tilespmem:$0x1C280] =	vst v63  }
0x13a: {  	s19 =	sadd.s32 $0x1, s19;
	s22 =	sadd.s32 @!p0 s22, s5;
	v8 =	vadd.f32 v24, v4;
	v4 =	vadd.f32 v63, v45;
	v5 =	vmul.f32 v18, v18;
	s21 =	sadd.s32 @!p0 $0x200, s21  }
0x13b: {  	v0 =	vadd.f32 v60, v2;
	[tilespmem:s21], [sflag:s20] =	stream.linear.gather @!p0 [hbm4b:s22+s24], $0x2000, $0x38;
	v1 =	vadd.f32 v1, v6;
	v6 =	vmul.f32 v17, v17;
	[tilespmem:$0x1C280] =	vst v63  }
0x13c: {  	v2 =	vadd.f32 v61, v4;
	v4 =	vmul.f32 v14, v14;
	p0 =	sne.s32 s19, $0x20;
	v3 =	vadd.f32 v5, v3  }
.Ltmp1:
0x13d: {  	v0 =	vadd.f32 v19, v0;
	v5 =	vmul.f32 v13, v13;
	v1 =	vadd.f32 v6, v1;
	(pc) =	sbr.rel @p0 .LBB2_2-.Ltmp1, $4  }
0x13e: {  	v2 =	vadd.f32 v20, v2;
	v3 =	vadd.f32 v4, v3  }
0x13f: {  	v4 =	vmul.f32 v11, v11;
	v6 =	vmul.f32 v12, v12;
	v1 =	vadd.f32 v5, v1  }
0x140: {  	v11 =	vadd.f32 v15, v0;
	v5 =	vadd.f32 v16, v2  }
0x141: {  	v2 =	vadd.f32 v6, v3;
	v1 =	vadd.f32 v4, v1  }
0x142: {  	v0 =	vadd.f32 v10, v9;
	_ =	sdelay $0x1  }
0x143: {  	v0 =	vadd.f32 v8, v0;
	_ =	sdelay $0x1  }
0x144: {  	v0 =	vadd.f32 v7, v0;
	_ =	sdelay $0x1  }
0x145: {  	v0 =	vadd.f32 v11, v0;
	_ =	sdelay $0x1  }
0x146: {  	v0 =	vadd.f32 v5, v0;
	_ =	sdelay $0x1  }
0x147: {  	v0 =	vadd.f32 v2, v0;
	_ =	sdelay $0x1  }
0x148: {  	s18 =	sadd.s32 $0x1, s18;
	v0 =	vadd.f32 v1, v0  }
0x149: {  	p0 =	sne.s32 s18, s14  }
.Ltmp2:
0x14a: {  	[tilespmem:$0x1C200] =	vst v0;
	(pc) =	sbr.rel @p0 .LBB2_1-.Ltmp2, $4  }
0x14b: {  	[hbm4b:s13+s3] =	stream.linear.scatter [tilespmem:s17], [sflag:$0x8], $0x80, $0x38;
	[tilespmem:$0x1C280] =	vst v63  }
0x14c: {  	_ =	swait.ge [sflag:s15], $0x80  }
0x14d: {  	[sflag:s15] =	ssyncset.done $0x0  }
0x14e: {  	[sflag:s15] =	ssyncadd.s32 $0xFFFFFF80  }
0x14f: {  	_ =	sfence.sel $0x180000  }
0x150: {  	[bflag:$0x0] =	sbarrier.arrive $0xFFFF  }
0x151: {  	_ =	strace $0x90000047  }
0x152: {  	s0 =	stileid.u32;
	[bflag:$0x2] =	sbarrier.arrive $0xFFFF  }
0x153: {  	p0 =	sne.s32 s0, $0x0;
	s0 =	rddreg [dreg:$0x4]  }
0x154: {  	s0 =	sadd.s32 @!p0 $0x100000, s0  }
0x155: {  	[sflag:s0] =	ssyncadd.tile.s32 @!p0 $0x1;
	_ =	shalt  }
.Lfunc_end2:
_tile_overlayer_lowered:
.L_overlay_start_2:
0x156: {  	(tag) =	ssettag $0x2  }
0x157: {  	s0 =	rddreg [dreg:$0x0];
	s2 =	stileid.u32  }
0x158: {  	s1 =	rddreg [dreg:$0x1];
	p0 =	sne.s32 s2, $0x0  }
0x159: {  	s3 =	rddreg [dreg:$0x2];
	[bflag:$0x3] =	sbarrier.arrive $0xFFFF;
	s2 =	simm.s32 @!p0 $0x1C08  }
0x15a: {  	[timem:s3], [sflag:s2] =	dma.local @!p0 [hbm:s0], s1  }
0x15b: {  	s0 =	simm.s32 @!p0 $0x8  }
0x15c: {  	_ =	swait.ge @!p0 [sflag:s0], s1  }
0x15d: {  	s1 =	ssub.s32 @!p0 $0x0, s1;
	[sflag:s0] =	ssyncset.done @!p0 $0x0  }
0x15e: {  	[sflag:s0] =	ssyncadd.s32 @!p0 s1  }
0x15f: {  	[bflag:$0x3] =	sbarrier.arrive $0xFFFF  }
0x160: {  	_ =	shalt  }

</sc_bundles>
